<compile_context>
chip_gen: v7x
topology: tpu7x:2x2x1
jax: 0.10.2.dev20260603
libtpu: 0.0.44.dev20260713+nightly
codegen_flags: <defaults>
</compile_context>

<pallas_src>
import functools

import jax
import jax.numpy as jnp
from jax import lax
from jax.experimental import pallas as pl
from jax.experimental.pallas import tpu as pltpu
from jax.experimental.pallas import tpu_sc as plsc

B = 16384
FEAT = 128
NCLS = 5
STRIDE = 160
NC, NS, L = 2, 16, 16
NW = NC * NS
SC_ROWS = 8192
RPW = SC_ROWS // NW
UNROLL = 8
MAGIC = 0x5F3759DF


@functools.partial(
    pl.kernel,
    out_type=jax.ShapeDtypeStruct((NW, NCLS, STRIDE), jnp.float32),
    mesh=plsc.VectorSubcoreMesh(core_axis_name="c", subcore_axis_name="s"),
    compiler_params=pltpu.CompilerParams(needs_layout_passes=False),
    scratch_types=[
        pltpu.VMEM((RPW * FEAT,), jnp.float32),
        pltpu.VMEM((RPW,), jnp.int32),
        pltpu.VMEM((NCLS, STRIDE), jnp.float32),
    ],
)
def _sc_partials(xs_hbm, lbl_hbm, out_hbm, xs_v, lbl_v, acc_v):
    wid = lax.axis_index("s") * NC + lax.axis_index("c")
    base = pl.multiple_of(wid * RPW, RPW)
    pltpu.sync_copy(xs_hbm.at[pl.ds(base * FEAT, RPW * FEAT)], xs_v)
    pltpu.sync_copy(lbl_hbm.at[pl.ds(base, RPW)], lbl_v)

    zeros16 = jnp.zeros((L,), jnp.float32)
    for c in range(NCLS):
        for k in range(STRIDE // L):
            acc_v[c, pl.ds(k * L, L)] = zeros16

    iota = lax.iota(jnp.int32, L)
    lane0 = (iota == 0).astype(jnp.float32)
    lane1 = (iota == 1).astype(jnp.float32)
    bfly = [iota ^ st for st in (1, 2, 4, 8)]
    ioff = [iota + jnp.int32(L * j) for j in range(FEAT // L)]
    ioff_aux = iota + jnp.int32(FEAT)

    def row_work(row):
        ridx = jnp.full((L,), row, jnp.int32)
        lbl = plsc.load_gather(lbl_v, [ridx])
        xoff = pl.multiple_of(row * FEAT, FEAT)
        xj = [xs_v[pl.ds(xoff + L * j, L)] for j in range(FEAT // L)]
        sq = [x * x for x in xj]
        while len(sq) > 1:
            sq = [a + b for a, b in zip(sq[0::2], sq[1::2])]
        sv = sq[0]
        for bi in bfly:
            sv = sv + sv[bi]
        mv = jnp.maximum(sv, jnp.float32(1e-24))
        iv = jnp.int32(MAGIC) - lax.shift_right_logical(plsc.bitcast(mv, jnp.int32), 1)
        y = plsc.bitcast(iv, jnp.float32)
        half_m = mv * jnp.float32(0.5)
        for _ in range(2):
            y = y * (jnp.float32(1.5) - half_m * y * y)
        for j in range(FEAT // L):
            plsc.addupdate_scatter(acc_v, [lbl, ioff[j]], xj[j] * y)
        q_v = sv * y * y
        aux = lane0 * q_v + lane1
        plsc.addupdate_scatter(acc_v, [lbl, ioff_aux], aux)

    plsc.parallel_loop(0, RPW, unroll=UNROLL)(row_work)
    pltpu.sync_copy(acc_v, out_hbm.at[wid])


def _tc_partial_body(x_ref, l_ref, o_ref):
    i = pl.program_id(0)

    @pl.when(i == 0)
    def _():
        o_ref[...] = jnp.zeros((NCLS, STRIDE), jnp.float32)

    x = x_ref[...]
    s = jnp.sum(x * x, axis=1, keepdims=True)
    inv = 1.0 / jnp.maximum(jnp.sqrt(s), jnp.float32(1e-12))
    q = s * inv * inv
    onehot = (l_ref[...] == lax.broadcasted_iota(jnp.int32, (1, NCLS), 1)
              ).astype(jnp.float32)
    w = onehot * inv
    v = lax.dot_general(w, x, (((0,), (0,)), ((), ())),
                        preferred_element_type=jnp.float32)
    qn = lax.dot_general(
        onehot, jnp.concatenate([q, jnp.ones_like(q)], axis=1),
        (((0,), (0,)), ((), ())),
        preferred_element_type=jnp.float32)
    contrib = jnp.concatenate(
        [v, qn, jnp.zeros((NCLS, STRIDE - FEAT - 2), jnp.float32)], axis=1)
    o_ref[...] = o_ref[...] + contrib


RB = 2048
SC_BLK = SC_ROWS // RB
_tc_partial = pl.pallas_call(
    _tc_partial_body,
    grid=((B - SC_ROWS) // RB,),
    in_specs=[
        pl.BlockSpec((RB, FEAT), lambda i: (SC_BLK + i, 0)),
        pl.BlockSpec((RB, 1), lambda i: (SC_BLK + i, 0)),
    ],
    out_specs=pl.BlockSpec((NCLS, STRIDE), lambda i: (0, 0)),
    out_shape=jax.ShapeDtypeStruct((NCLS, STRIDE), jnp.float32),
)


def _tc_finish_body(p_ref, t_ref, c_ref, o_ref):
    tot = jnp.sum(p_ref[...], axis=0) + t_ref[...]
    v = tot[:, 0:FEAT]
    q = tot[:, FEAT:FEAT + 1]
    n = tot[:, FEAT + 1:FEAT + 2]
    cen = c_ref[0:NCLS, :]
    s_c = (q - 2.0 * jnp.sum(v * cen, axis=1, keepdims=True)
           + n * jnp.sum(cen * cen, axis=1, keepdims=True))
    loss = jnp.sum(s_c / (n + 1.0)) * jnp.float32(1.0 / B)
    o_ref[...] = jnp.full((1, 1), loss, jnp.float32)


_tc_finish = pl.pallas_call(
    _tc_finish_body,
    out_shape=jax.ShapeDtypeStruct((1, 1), jnp.float32),
)


def kernel(xs, label, center):
    label = label.astype(jnp.int32)
    parts = _sc_partials(xs.reshape(B * FEAT), label)
    tc_part = _tc_partial(xs, label.reshape(B, 1))
    out = _tc_finish(parts, tc_part, center)
    return out[0, 0]

# --- scband reference (transcript-rebuilt; emitter-appended) ---
"""Pipeline reference for scband-center-loss-74594991997188 (READ-ONLY COPY).

The authoritative reference and input builder live on the scoring server;
editing this copy changes nothing except your own understanding.
"""

import jax, jax.numpy as jnp
import numpy as np

CLS_NUM = 1000
FEAT = 128
B = 16384


def setup_inputs(seed: int = 0) -> dict:
    key = jax.random.key(seed)
    k_xs, k_label, k_center = jax.random.split(key, 3)
    xs = jax.random.normal(k_xs, (B, FEAT), dtype=jnp.float32)
    # NOTE: torch.histc in the original is hardcoded to bins=5, min=0, max=4,
    # and `count.index_select(0, label)` requires label values in [0, 5).
    label = jax.random.randint(k_label, (B,), 0, 5, dtype=jnp.int64)
    center = jax.random.normal(k_center, (CLS_NUM, FEAT), dtype=jnp.float32)
    return {"xs": xs, "label": label, "center": center}


def reference(xs, label, center):
    # f.normalize(xs): L2 normalize along dim=1 with eps=1e-12
    norm = jnp.sqrt(jnp.sum(xs * xs, axis=1, keepdims=True))
    xs_n = xs / jnp.maximum(norm, 1e-12)
    # center.index_select(0, label) -> gather
    cen_select = jnp.take(center, label, axis=0)
    # torch.histc(label.float(), bins=5, min=0, max=4) on integer labels 0..4
    # is exactly a bincount with 5 bins (max value falls in the last bin).
    count = jnp.bincount(label, length=5).astype(jnp.float32)
    count_dis = jnp.take(count, label, axis=0) + 1.0
    sq = jnp.sum((xs_n - cen_select) ** 2, axis=1)
    return jnp.mean(sq / count_dis)

if __name__ == "__main__":
    import jax
    _d = setup_inputs()
    print(jax.jit(kernel)(*tuple(_d.values())))

</pallas_src>

<mosaic_0001>
#map = affine_map<(d0, d1) -> (0)>
#map1 = affine_map<(d0, d1) -> (0, 0, 0)>
module attributes {stable_mosaic.version = 14 : i64} {
  func.func @_sc_partials(%arg0: i32, %arg1: i32, %arg2: memref<2097152xf32, #tpu.memory_space<hbm>>, %arg3: memref<16384xi32, #tpu.memory_space<hbm>>, %arg4: memref<32x5x160xf32, #tpu.memory_space<hbm>>, %arg5: memref<32768xf32, #tpu.memory_space<vmem>>, %arg6: memref<256xi32, #tpu.memory_space<vmem>>, %arg7: memref<5x160xf32, #tpu.memory_space<vmem>>) attributes {dimension_semantics = [#tpu.dimension_semantics<core_parallel>, #tpu.dimension_semantics<subcore_parallel>], iteration_bounds = array<i64: 2, 16>, scalar_prefetch = 0 : i64, scratch_operands = 3 : i64, tpu.core_type = #tpu.core_type<sc_vector_subcore>, window_params = [{transform_indices = #map}, {transform_indices = #map}, {transform_indices = #map1}]} {
    %mul3A = arith.constant 2 : i32
    %mul3A_0 = arith.muli %arg1, %mul3A : i32
    %add3A = arith.addi %mul3A_0, %arg0 : i32
    %mul3A_1 = arith.constant 256 : i32
    %mul3A_2 = arith.muli %add3A, %mul3A_1 : i32
    %multiple_of3A = tpu.assume_multiple %mul3A_2, 256 : i32
    %mul3A_3 = arith.constant 128 : i32
    %mul3A_4 = arith.muli %multiple_of3A, %mul3A_3 : i32
    "tpu.region"() ({
      %run_scoped3A = tpu.sem_alloc : memref<!tpu.dma_semaphore, #tpu.memory_space<semaphore_mem>>
      %dma_start3A = tpu.memref_slice %arg2[%mul3A_4] : memref<2097152xf32, #tpu.memory_space<hbm>> -> memref<32768xf32, #tpu.memory_space<hbm>>
      %dma_start3A_253 = tpu.memref_slice %arg2[%mul3A_4] : memref<2097152xf32, #tpu.memory_space<hbm>> -> memref<32768xf32, #tpu.memory_space<hbm>>
      tpu.enqueue_dma source(%dma_start3A_253 : memref<32768xf32, #tpu.memory_space<hbm>>) target(%arg5 : memref<32768xf32, #tpu.memory_space<vmem>>) target_semaphore(%run_scoped3A : memref<!tpu.dma_semaphore, #tpu.memory_space<semaphore_mem>>)
      %dma_wait3A = tpu.memref_slice %arg2[%mul3A_4] : memref<2097152xf32, #tpu.memory_space<hbm>> -> memref<32768xf32, #tpu.memory_space<hbm>>
      %dma_wait3A_254 = tpu.memref_slice %arg2[%mul3A_4] : memref<2097152xf32, #tpu.memory_space<hbm>> -> memref<32768xf32, #tpu.memory_space<hbm>>
      tpu.wait_dma2 semaphore(%run_scoped3A : memref<!tpu.dma_semaphore, #tpu.memory_space<semaphore_mem>>) src(%dma_wait3A_254 : memref<32768xf32, #tpu.memory_space<hbm>>) dst(%arg5 : memref<32768xf32, #tpu.memory_space<vmem>>)
      tpu.yield
    }) : () -> ()
    "tpu.region"() ({
      %run_scoped3A = tpu.sem_alloc : memref<!tpu.dma_semaphore, #tpu.memory_space<semaphore_mem>>
      %dma_start3A = tpu.memref_slice %arg3[%multiple_of3A] : memref<16384xi32, #tpu.memory_space<hbm>> -> memref<256xi32, #tpu.memory_space<hbm>>
      %dma_start3A_253 = tpu.memref_slice %arg3[%multiple_of3A] : memref<16384xi32, #tpu.memory_space<hbm>> -> memref<256xi32, #tpu.memory_space<hbm>>
      tpu.enqueue_dma source(%dma_start3A_253 : memref<256xi32, #tpu.memory_space<hbm>>) target(%arg6 : memref<256xi32, #tpu.memory_space<vmem>>) target_semaphore(%run_scoped3A : memref<!tpu.dma_semaphore, #tpu.memory_space<semaphore_mem>>)
      %dma_wait3A = tpu.memref_slice %arg3[%multiple_of3A] : memref<16384xi32, #tpu.memory_space<hbm>> -> memref<256xi32, #tpu.memory_space<hbm>>
      %dma_wait3A_254 = tpu.memref_slice %arg3[%multiple_of3A] : memref<16384xi32, #tpu.memory_space<hbm>> -> memref<256xi32, #tpu.memory_space<hbm>>
      tpu.wait_dma2 semaphore(%run_scoped3A : memref<!tpu.dma_semaphore, #tpu.memory_space<semaphore_mem>>) src(%dma_wait3A_254 : memref<256xi32, #tpu.memory_space<hbm>>) dst(%arg6 : memref<256xi32, #tpu.memory_space<vmem>>)
      tpu.yield
    }) : () -> ()
    %broadcast_in_dim3A = arith.constant 0.000000e+00 : f32
    %broadcast_in_dim3A_5 = vector.broadcast %broadcast_in_dim3A : f32 to vector<16xf32>
    %swap3A = arith.constant 0 : i32
    %swap3A_6 = arith.index_cast %swap3A : i32 to index
    %swap3A_7 = arith.constant 0 : index
    %swap3A_8 = tpu.vector_load %arg7[%swap3A_6, %swap3A_7] {strides = array<i32>} : memref<5x160xf32, #tpu.memory_space<vmem>>, vector<16xf32>,
    tpu.vector_store %arg7[%swap3A_6, %swap3A_7], %broadcast_in_dim3A_5 {strides = array<i32>} : memref<5x160xf32, #tpu.memory_space<vmem>>, vector<16xf32>,
    %swap3A_9 = arith.constant 0 : i32
    %swap3A_10 = arith.index_cast %swap3A_9 : i32 to index
    %swap3A_11 = arith.constant 16 : index
    %swap3A_12 = tpu.vector_load %arg7[%swap3A_10, %swap3A_11] {strides = array<i32>} : memref<5x160xf32, #tpu.memory_space<vmem>>, vector<16xf32>,
    tpu.vector_store %arg7[%swap3A_10, %swap3A_11], %broadcast_in_dim3A_5 {strides = array<i32>} : memref<5x160xf32, #tpu.memory_space<vmem>>, vector<16xf32>,
    %swap3A_13 = arith.constant 0 : i32
    %swap3A_14 = arith.index_cast %swap3A_13 : i32 to index
    %swap3A_15 = arith.constant 32 : index
    %swap3A_16 = tpu.vector_load %arg7[%swap3A_14, %swap3A_15] {strides = array<i32>} : memref<5x160xf32, #tpu.memory_space<vmem>>, vector<16xf32>,
    tpu.vector_store %arg7[%swap3A_14, %swap3A_15], %broadcast_in_dim3A_5 {strides = array<i32>} : memref<5x160xf32, #tpu.memory_space<vmem>>, vector<16xf32>,
    %swap3A_17 = arith.constant 0 : i32
    %swap3A_18 = arith.index_cast %swap3A_17 : i32 to index
    %swap3A_19 = arith.constant 48 : index
    %swap3A_20 = tpu.vector_load %arg7[%swap3A_18, %swap3A_19] {strides = array<i32>} : memref<5x160xf32, #tpu.memory_space<vmem>>, vector<16xf32>,
    tpu.vector_store %arg7[%swap3A_18, %swap3A_19], %broadcast_in_dim3A_5 {strides = array<i32>} : memref<5x160xf32, #tpu.memory_space<vmem>>, vector<16xf32>,
    %swap3A_21 = arith.constant 0 : i32
    %swap3A_22 = arith.index_cast %swap3A_21 : i32 to index
    %swap3A_23 = arith.constant 64 : index
    %swap3A_24 = tpu.vector_load %arg7[%swap3A_22, %swap3A_23] {strides = array<i32>} : memref<5x160xf32, #tpu.memory_space<vmem>>, vector<16xf32>,
    tpu.vector_store %arg7[%swap3A_22, %swap3A_23], %broadcast_in_dim3A_5 {strides = array<i32>} : memref<5x160xf32, #tpu.memory_space<vmem>>, vector<16xf32>,
    %swap3A_25 = arith.constant 0 : i32
    %swap3A_26 = arith.index_cast %swap3A_25 : i32 to index
    %swap3A_27 = arith.constant 80 : index
    %swap3A_28 = tpu.vector_load %arg7[%swap3A_26, %swap3A_27] {strides = array<i32>} : memref<5x160xf32, #tpu.memory_space<vmem>>, vector<16xf32>,
    tpu.vector_store %arg7[%swap3A_26, %swap3A_27], %broadcast_in_dim3A_5 {strides = array<i32>} : memref<5x160xf32, #tpu.memory_space<vmem>>, vector<16xf32>,
    %swap3A_29 = arith.constant 0 : i32
    %swap3A_30 = arith.index_cast %swap3A_29 : i32 to index
    %swap3A_31 = arith.constant 96 : index
    %swap3A_32 = tpu.vector_load %arg7[%swap3A_30, %swap3A_31] {strides = array<i32>} : memref<5x160xf32, #tpu.memory_space<vmem>>, vector<16xf32>,
    tpu.vector_store %arg7[%swap3A_30, %swap3A_31], %broadcast_in_dim3A_5 {strides = array<i32>} : memref<5x160xf32, #tpu.memory_space<vmem>>, vector<16xf32>,
    %swap3A_33 = arith.constant 0 : i32
    %swap3A_34 = arith.index_cast %swap3A_33 : i32 to index
    %swap3A_35 = arith.constant 112 : index
    %swap3A_36 = tpu.vector_load %arg7[%swap3A_34, %swap3A_35] {strides = array<i32>} : memref<5x160xf32, #tpu.memory_space<vmem>>, vector<16xf32>,
    tpu.vector_store %arg7[%swap3A_34, %swap3A_35], %broadcast_in_dim3A_5 {strides = array<i32>} : memref<5x160xf32, #tpu.memory_space<vmem>>, vector<16xf32>,
    %swap3A_37 = arith.constant 0 : i32
    %swap3A_38 = arith.index_cast %swap3A_37 : i32 to index
    %swap3A_39 = arith.constant 128 : index
    %swap3A_40 = tpu.vector_load %arg7[%swap3A_38, %swap3A_39] {strides = array<i32>} : memref<5x160xf32, #tpu.memory_space<vmem>>, vector<16xf32>,
    tpu.vector_store %arg7[%swap3A_38, %swap3A_39], %broadcast_in_dim3A_5 {strides = array<i32>} : memref<5x160xf32, #tpu.memory_space<vmem>>, vector<16xf32>,
    %swap3A_41 = arith.constant 0 : i32
    %swap3A_42 = arith.index_cast %swap3A_41 : i32 to index
    %swap3A_43 = arith.constant 144 : index
    %swap3A_44 = tpu.vector_load %arg7[%swap3A_42, %swap3A_43] {strides = array<i32>} : memref<5x160xf32, #tpu.memory_space<vmem>>, vector<16xf32>,
    tpu.vector_store %arg7[%swap3A_42, %swap3A_43], %broadcast_in_dim3A_5 {strides = array<i32>} : memref<5x160xf32, #tpu.memory_space<vmem>>, vector<16xf32>,
    %swap3A_45 = arith.constant 1 : i32
    %swap3A_46 = arith.index_cast %swap3A_45 : i32 to index
    %swap3A_47 = arith.constant 0 : index
    %swap3A_48 = tpu.vector_load %arg7[%swap3A_46, %swap3A_47] {strides = array<i32>} : memref<5x160xf32, #tpu.memory_space<vmem>>, vector<16xf32>,
    tpu.vector_store %arg7[%swap3A_46, %swap3A_47], %broadcast_in_dim3A_5 {strides = array<i32>} : memref<5x160xf32, #tpu.memory_space<vmem>>, vector<16xf32>,
    %swap3A_49 = arith.constant 1 : i32
    %swap3A_50 = arith.index_cast %swap3A_49 : i32 to index
    %swap3A_51 = arith.constant 16 : index
    %swap3A_52 = tpu.vector_load %arg7[%swap3A_50, %swap3A_51] {strides = array<i32>} : memref<5x160xf32, #tpu.memory_space<vmem>>, vector<16xf32>,
    tpu.vector_store %arg7[%swap3A_50, %swap3A_51], %broadcast_in_dim3A_5 {strides = array<i32>} : memref<5x160xf32, #tpu.memory_space<vmem>>, vector<16xf32>,
    %swap3A_53 = arith.constant 1 : i32
    %swap3A_54 = arith.index_cast %swap3A_53 : i32 to index
    %swap3A_55 = arith.constant 32 : index
    %swap3A_56 = tpu.vector_load %arg7[%swap3A_54, %swap3A_55] {strides = array<i32>} : memref<5x160xf32, #tpu.memory_space<vmem>>, vector<16xf32>,
    tpu.vector_store %arg7[%swap3A_54, %swap3A_55], %broadcast_in_dim3A_5 {strides = array<i32>} : memref<5x160xf32, #tpu.memory_space<vmem>>, vector<16xf32>,
    %swap3A_57 = arith.constant 1 : i32
    %swap3A_58 = arith.index_cast %swap3A_57 : i32 to index
    %swap3A_59 = arith.constant 48 : index
    %swap3A_60 = tpu.vector_load %arg7[%swap3A_58, %swap3A_59] {strides = array<i32>} : memref<5x160xf32, #tpu.memory_space<vmem>>, vector<16xf32>,
    tpu.vector_store %arg7[%swap3A_58, %swap3A_59], %broadcast_in_dim3A_5 {strides = array<i32>} : memref<5x160xf32, #tpu.memory_space<vmem>>, vector<16xf32>,
    %swap3A_61 = arith.constant 1 : i32
    %swap3A_62 = arith.index_cast %swap3A_61 : i32 to index
    %swap3A_63 = arith.constant 64 : index
    %swap3A_64 = tpu.vector_load %arg7[%swap3A_62, %swap3A_63] {strides = array<i32>} : memref<5x160xf32, #tpu.memory_space<vmem>>, vector<16xf32>,
    tpu.vector_store %arg7[%swap3A_62, %swap3A_63], %broadcast_in_dim3A_5 {strides = array<i32>} : memref<5x160xf32, #tpu.memory_space<vmem>>, vector<16xf32>,
    %swap3A_65 = arith.constant 1 : i32
    %swap3A_66 = arith.index_cast %swap3A_65 : i32 to index
    %swap3A_67 = arith.constant 80 : index
    %swap3A_68 = tpu.vector_load %arg7[%swap3A_66, %swap3A_67] {strides = array<i32>} : memref<5x160xf32, #tpu.memory_space<vmem>>, vector<16xf32>,
    tpu.vector_store %arg7[%swap3A_66, %swap3A_67], %broadcast_in_dim3A_5 {strides = array<i32>} : memref<5x160xf32, #tpu.memory_space<vmem>>, vector<16xf32>,
    %swap3A_69 = arith.constant 1 : i32
    %swap3A_70 = arith.index_cast %swap3A_69 : i32 to index
    %swap3A_71 = arith.constant 96 : index
    %swap3A_72 = tpu.vector_load %arg7[%swap3A_70, %swap3A_71] {strides = array<i32>} : memref<5x160xf32, #tpu.memory_space<vmem>>, vector<16xf32>,
    tpu.vector_store %arg7[%swap3A_70, %swap3A_71], %broadcast_in_dim3A_5 {strides = array<i32>} : memref<5x160xf32, #tpu.memory_space<vmem>>, vector<16xf32>,
    %swap3A_73 = arith.constant 1 : i32
    %swap3A_74 = arith.index_cast %swap3A_73 : i32 to index
    %swap3A_75 = arith.constant 112 : index
    %swap3A_76 = tpu.vector_load %arg7[%swap3A_74, %swap3A_75] {strides = array<i32>} : memref<5x160xf32, #tpu.memory_space<vmem>>, vector<16xf32>,
    tpu.vector_store %arg7[%swap3A_74, %swap3A_75], %broadcast_in_dim3A_5 {strides = array<i32>} : memref<5x160xf32, #tpu.memory_space<vmem>>, vector<16xf32>,
    %swap3A_77 = arith.constant 1 : i32
    %swap3A_78 = arith.index_cast %swap3A_77 : i32 to index
    %swap3A_79 = arith.constant 128 : index
    %swap3A_80 = tpu.vector_load %arg7[%swap3A_78, %swap3A_79] {strides = array<i32>} : memref<5x160xf32, #tpu.memory_space<vmem>>, vector<16xf32>,
    tpu.vector_store %arg7[%swap3A_78, %swap3A_79], %broadcast_in_dim3A_5 {strides = array<i32>} : memref<5x160xf32, #tpu.memory_space<vmem>>, vector<16xf32>,
    %swap3A_81 = arith.constant 1 : i32
    %swap3A_82 = arith.index_cast %swap3A_81 : i32 to index
    %swap3A_83 = arith.constant 144 : index
    %swap3A_84 = tpu.vector_load %arg7[%swap3A_82, %swap3A_83] {strides = array<i32>} : memref<5x160xf32, #tpu.memory_space<vmem>>, vector<16xf32>,
    tpu.vector_store %arg7[%swap3A_82, %swap3A_83], %broadcast_in_dim3A_5 {strides = array<i32>} : memref<5x160xf32, #tpu.memory_space<vmem>>, vector<16xf32>,
    %swap3A_85 = arith.constant 2 : i32
    %swap3A_86 = arith.index_cast %swap3A_85 : i32 to index
    %swap3A_87 = arith.constant 0 : index
    %swap3A_88 = tpu.vector_load %arg7[%swap3A_86, %swap3A_87] {strides = array<i32>} : memref<5x160xf32, #tpu.memory_space<vmem>>, vector<16xf32>,
    tpu.vector_store %arg7[%swap3A_86, %swap3A_87], %broadcast_in_dim3A_5 {strides = array<i32>} : memref<5x160xf32, #tpu.memory_space<vmem>>, vector<16xf32>,
    %swap3A_89 = arith.constant 2 : i32
    %swap3A_90 = arith.index_cast %swap3A_89 : i32 to index
    %swap3A_91 = arith.constant 16 : index
    %swap3A_92 = tpu.vector_load %arg7[%swap3A_90, %swap3A_91] {strides = array<i32>} : memref<5x160xf32, #tpu.memory_space<vmem>>, vector<16xf32>,
    tpu.vector_store %arg7[%swap3A_90, %swap3A_91], %broadcast_in_dim3A_5 {strides = array<i32>} : memref<5x160xf32, #tpu.memory_space<vmem>>, vector<16xf32>,
    %swap3A_93 = arith.constant 2 : i32
    %swap3A_94 = arith.index_cast %swap3A_93 : i32 to index
    %swap3A_95 = arith.constant 32 : index
    %swap3A_96 = tpu.vector_load %arg7[%swap3A_94, %swap3A_95] {strides = array<i32>} : memref<5x160xf32, #tpu.memory_space<vmem>>, vector<16xf32>,
    tpu.vector_store %arg7[%swap3A_94, %swap3A_95], %broadcast_in_dim3A_5 {strides = array<i32>} : memref<5x160xf32, #tpu.memory_space<vmem>>, vector<16xf32>,
    %swap3A_97 = arith.constant 2 : i32
    %swap3A_98 = arith.index_cast %swap3A_97 : i32 to index
    %swap3A_99 = arith.constant 48 : index
    %swap3A_100 = tpu.vector_load %arg7[%swap3A_98, %swap3A_99] {strides = array<i32>} : memref<5x160xf32, #tpu.memory_space<vmem>>, vector<16xf32>,
    tpu.vector_store %arg7[%swap3A_98, %swap3A_99], %broadcast_in_dim3A_5 {strides = array<i32>} : memref<5x160xf32, #tpu.memory_space<vmem>>, vector<16xf32>,
    %swap3A_101 = arith.constant 2 : i32
    %swap3A_102 = arith.index_cast %swap3A_101 : i32 to index
    %swap3A_103 = arith.constant 64 : index
    %swap3A_104 = tpu.vector_load %arg7[%swap3A_102, %swap3A_103] {strides = array<i32>} : memref<5x160xf32, #tpu.memory_space<vmem>>, vector<16xf32>,
    tpu.vector_store %arg7[%swap3A_102, %swap3A_103], %broadcast_in_dim3A_5 {strides = array<i32>} : memref<5x160xf32, #tpu.memory_space<vmem>>, vector<16xf32>,
    %swap3A_105 = arith.constant 2 : i32
    %swap3A_106 = arith.index_cast %swap3A_105 : i32 to index
    %swap3A_107 = arith.constant 80 : index
    %swap3A_108 = tpu.vector_load %arg7[%swap3A_106, %swap3A_107] {strides = array<i32>} : memref<5x160xf32, #tpu.memory_space<vmem>>, vector<16xf32>,
    tpu.vector_store %arg7[%swap3A_106, %swap3A_107], %broadcast_in_dim3A_5 {strides = array<i32>} : memref<5x160xf32, #tpu.memory_space<vmem>>, vector<16xf32>,
    %swap3A_109 = arith.constant 2 : i32
    %swap3A_110 = arith.index_cast %swap3A_109 : i32 to index
    %swap3A_111 = arith.constant 96 : index
    %swap3A_112 = tpu.vector_load %arg7[%swap3A_110, %swap3A_111] {strides = array<i32>} : memref<5x160xf32, #tpu.memory_space<vmem>>, vector<16xf32>,
    tpu.vector_store %arg7[%swap3A_110, %swap3A_111], %broadcast_in_dim3A_5 {strides = array<i32>} : memref<5x160xf32, #tpu.memory_space<vmem>>, vector<16xf32>,
    %swap3A_113 = arith.constant 2 : i32
    %swap3A_114 = arith.index_cast %swap3A_113 : i32 to index
    %swap3A_115 = arith.constant 112 : index
    %swap3A_116 = tpu.vector_load %arg7[%swap3A_114, %swap3A_115] {strides = array<i32>} : memref<5x160xf32, #tpu.memory_space<vmem>>, vector<16xf32>,
    tpu.vector_store %arg7[%swap3A_114, %swap3A_115], %broadcast_in_dim3A_5 {strides = array<i32>} : memref<5x160xf32, #tpu.memory_space<vmem>>, vector<16xf32>,
    %swap3A_117 = arith.constant 2 : i32
    %swap3A_118 = arith.index_cast %swap3A_117 : i32 to index
    %swap3A_119 = arith.constant 128 : index
    %swap3A_120 = tpu.vector_load %arg7[%swap3A_118, %swap3A_119] {strides = array<i32>} : memref<5x160xf32, #tpu.memory_space<vmem>>, vector<16xf32>,
    tpu.vector_store %arg7[%swap3A_118, %swap3A_119], %broadcast_in_dim3A_5 {strides = array<i32>} : memref<5x160xf32, #tpu.memory_space<vmem>>, vector<16xf32>,
    %swap3A_121 = arith.constant 2 : i32
    %swap3A_122 = arith.index_cast %swap3A_121 : i32 to index
    %swap3A_123 = arith.constant 144 : index
    %swap3A_124 = tpu.vector_load %arg7[%swap3A_122, %swap3A_123] {strides = array<i32>} : memref<5x160xf32, #tpu.memory_space<vmem>>, vector<16xf32>,
    tpu.vector_store %arg7[%swap3A_122, %swap3A_123], %broadcast_in_dim3A_5 {strides = array<i32>} : memref<5x160xf32, #tpu.memory_space<vmem>>, vector<16xf32>,
    %swap3A_125 = arith.constant 3 : i32
    %swap3A_126 = arith.index_cast %swap3A_125 : i32 to index
    %swap3A_127 = arith.constant 0 : index
    %swap3A_128 = tpu.vector_load %arg7[%swap3A_126, %swap3A_127] {strides = array<i32>} : memref<5x160xf32, #tpu.memory_space<vmem>>, vector<16xf32>,
    tpu.vector_store %arg7[%swap3A_126, %swap3A_127], %broadcast_in_dim3A_5 {strides = array<i32>} : memref<5x160xf32, #tpu.memory_space<vmem>>, vector<16xf32>,
    %swap3A_129 = arith.constant 3 : i32
    %swap3A_130 = arith.index_cast %swap3A_129 : i32 to index
    %swap3A_131 = arith.constant 16 : index
    %swap3A_132 = tpu.vector_load %arg7[%swap3A_130, %swap3A_131] {strides = array<i32>} : memref<5x160xf32, #tpu.memory_space<vmem>>, vector<16xf32>,
    tpu.vector_store %arg7[%swap3A_130, %swap3A_131], %broadcast_in_dim3A_5 {strides = array<i32>} : memref<5x160xf32, #tpu.memory_space<vmem>>, vector<16xf32>,
    %swap3A_133 = arith.constant 3 : i32
    %swap3A_134 = arith.index_cast %swap3A_133 : i32 to index
    %swap3A_135 = arith.constant 32 : index
    %swap3A_136 = tpu.vector_load %arg7[%swap3A_134, %swap3A_135] {strides = array<i32>} : memref<5x160xf32, #tpu.memory_space<vmem>>, vector<16xf32>,
    tpu.vector_store %arg7[%swap3A_134, %swap3A_135], %broadcast_in_dim3A_5 {strides = array<i32>} : memref<5x160xf32, #tpu.memory_space<vmem>>, vector<16xf32>,
    %swap3A_137 = arith.constant 3 : i32
    %swap3A_138 = arith.index_cast %swap3A_137 : i32 to index
    %swap3A_139 = arith.constant 48 : index
    %swap3A_140 = tpu.vector_load %arg7[%swap3A_138, %swap3A_139] {strides = array<i32>} : memref<5x160xf32, #tpu.memory_space<vmem>>, vector<16xf32>,
    tpu.vector_store %arg7[%swap3A_138, %swap3A_139], %broadcast_in_dim3A_5 {strides = array<i32>} : memref<5x160xf32, #tpu.memory_space<vmem>>, vector<16xf32>,
    %swap3A_141 = arith.constant 3 : i32
    %swap3A_142 = arith.index_cast %swap3A_141 : i32 to index
    %swap3A_143 = arith.constant 64 : index
    %swap3A_144 = tpu.vector_load %arg7[%swap3A_142, %swap3A_143] {strides = array<i32>} : memref<5x160xf32, #tpu.memory_space<vmem>>, vector<16xf32>,
    tpu.vector_store %arg7[%swap3A_142, %swap3A_143], %broadcast_in_dim3A_5 {strides = array<i32>} : memref<5x160xf32, #tpu.memory_space<vmem>>, vector<16xf32>,
    %swap3A_145 = arith.constant 3 : i32
    %swap3A_146 = arith.index_cast %swap3A_145 : i32 to index
    %swap3A_147 = arith.constant 80 : index
    %swap3A_148 = tpu.vector_load %arg7[%swap3A_146, %swap3A_147] {strides = array<i32>} : memref<5x160xf32, #tpu.memory_space<vmem>>, vector<16xf32>,
    tpu.vector_store %arg7[%swap3A_146, %swap3A_147], %broadcast_in_dim3A_5 {strides = array<i32>} : memref<5x160xf32, #tpu.memory_space<vmem>>, vector<16xf32>,
    %swap3A_149 = arith.constant 3 : i32
    %swap3A_150 = arith.index_cast %swap3A_149 : i32 to index
    %swap3A_151 = arith.constant 96 : index
    %swap3A_152 = tpu.vector_load %arg7[%swap3A_150, %swap3A_151] {strides = array<i32>} : memref<5x160xf32, #tpu.memory_space<vmem>>, vector<16xf32>,
    tpu.vector_store %arg7[%swap3A_150, %swap3A_151], %broadcast_in_dim3A_5 {strides = array<i32>} : memref<5x160xf32, #tpu.memory_space<vmem>>, vector<16xf32>,
    %swap3A_153 = arith.constant 3 : i32
    %swap3A_154 = arith.index_cast %swap3A_153 : i32 to index
    %swap3A_155 = arith.constant 112 : index
    %swap3A_156 = tpu.vector_load %arg7[%swap3A_154, %swap3A_155] {strides = array<i32>} : memref<5x160xf32, #tpu.memory_space<vmem>>, vector<16xf32>,
    tpu.vector_store %arg7[%swap3A_154, %swap3A_155], %broadcast_in_dim3A_5 {strides = array<i32>} : memref<5x160xf32, #tpu.memory_space<vmem>>, vector<16xf32>,
    %swap3A_157 = arith.constant 3 : i32
    %swap3A_158 = arith.index_cast %swap3A_157 : i32 to index
    %swap3A_159 = arith.constant 128 : index
    %swap3A_160 = tpu.vector_load %arg7[%swap3A_158, %swap3A_159] {strides = array<i32>} : memref<5x160xf32, #tpu.memory_space<vmem>>, vector<16xf32>,
    tpu.vector_store %arg7[%swap3A_158, %swap3A_159], %broadcast_in_dim3A_5 {strides = array<i32>} : memref<5x160xf32, #tpu.memory_space<vmem>>, vector<16xf32>,
    %swap3A_161 = arith.constant 3 : i32
    %swap3A_162 = arith.index_cast %swap3A_161 : i32 to index
    %swap3A_163 = arith.constant 144 : index
    %swap3A_164 = tpu.vector_load %arg7[%swap3A_162, %swap3A_163] {strides = array<i32>} : memref<5x160xf32, #tpu.memory_space<vmem>>, vector<16xf32>,
    tpu.vector_store %arg7[%swap3A_162, %swap3A_163], %broadcast_in_dim3A_5 {strides = array<i32>} : memref<5x160xf32, #tpu.memory_space<vmem>>, vector<16xf32>,
    %swap3A_165 = arith.constant 4 : i32
    %swap3A_166 = arith.index_cast %swap3A_165 : i32 to index
    %swap3A_167 = arith.constant 0 : index
    %swap3A_168 = tpu.vector_load %arg7[%swap3A_166, %swap3A_167] {strides = array<i32>} : memref<5x160xf32, #tpu.memory_space<vmem>>, vector<16xf32>,
    tpu.vector_store %arg7[%swap3A_166, %swap3A_167], %broadcast_in_dim3A_5 {strides = array<i32>} : memref<5x160xf32, #tpu.memory_space<vmem>>, vector<16xf32>,
    %swap3A_169 = arith.constant 4 : i32
    %swap3A_170 = arith.index_cast %swap3A_169 : i32 to index
    %swap3A_171 = arith.constant 16 : index
    %swap3A_172 = tpu.vector_load %arg7[%swap3A_170, %swap3A_171] {strides = array<i32>} : memref<5x160xf32, #tpu.memory_space<vmem>>, vector<16xf32>,
    tpu.vector_store %arg7[%swap3A_170, %swap3A_171], %broadcast_in_dim3A_5 {strides = array<i32>} : memref<5x160xf32, #tpu.memory_space<vmem>>, vector<16xf32>,
    %swap3A_173 = arith.constant 4 : i32
    %swap3A_174 = arith.index_cast %swap3A_173 : i32 to index
    %swap3A_175 = arith.constant 32 : index
    %swap3A_176 = tpu.vector_load %arg7[%swap3A_174, %swap3A_175] {strides = array<i32>} : memref<5x160xf32, #tpu.memory_space<vmem>>, vector<16xf32>,
    tpu.vector_store %arg7[%swap3A_174, %swap3A_175], %broadcast_in_dim3A_5 {strides = array<i32>} : memref<5x160xf32, #tpu.memory_space<vmem>>, vector<16xf32>,
    %swap3A_177 = arith.constant 4 : i32
    %swap3A_178 = arith.index_cast %swap3A_177 : i32 to index
    %swap3A_179 = arith.constant 48 : index
    %swap3A_180 = tpu.vector_load %arg7[%swap3A_178, %swap3A_179] {strides = array<i32>} : memref<5x160xf32, #tpu.memory_space<vmem>>, vector<16xf32>,
    tpu.vector_store %arg7[%swap3A_178, %swap3A_179], %broadcast_in_dim3A_5 {strides = array<i32>} : memref<5x160xf32, #tpu.memory_space<vmem>>, vector<16xf32>,
    %swap3A_181 = arith.constant 4 : i32
    %swap3A_182 = arith.index_cast %swap3A_181 : i32 to index
    %swap3A_183 = arith.constant 64 : index
    %swap3A_184 = tpu.vector_load %arg7[%swap3A_182, %swap3A_183] {strides = array<i32>} : memref<5x160xf32, #tpu.memory_space<vmem>>, vector<16xf32>,
    tpu.vector_store %arg7[%swap3A_182, %swap3A_183], %broadcast_in_dim3A_5 {strides = array<i32>} : memref<5x160xf32, #tpu.memory_space<vmem>>, vector<16xf32>,
    %swap3A_185 = arith.constant 4 : i32
    %swap3A_186 = arith.index_cast %swap3A_185 : i32 to index
    %swap3A_187 = arith.constant 80 : index
    %swap3A_188 = tpu.vector_load %arg7[%swap3A_186, %swap3A_187] {strides = array<i32>} : memref<5x160xf32, #tpu.memory_space<vmem>>, vector<16xf32>,
    tpu.vector_store %arg7[%swap3A_186, %swap3A_187], %broadcast_in_dim3A_5 {strides = array<i32>} : memref<5x160xf32, #tpu.memory_space<vmem>>, vector<16xf32>,
    %swap3A_189 = arith.constant 4 : i32
    %swap3A_190 = arith.index_cast %swap3A_189 : i32 to index
    %swap3A_191 = arith.constant 96 : index
    %swap3A_192 = tpu.vector_load %arg7[%swap3A_190, %swap3A_191] {strides = array<i32>} : memref<5x160xf32, #tpu.memory_space<vmem>>, vector<16xf32>,
    tpu.vector_store %arg7[%swap3A_190, %swap3A_191], %broadcast_in_dim3A_5 {strides = array<i32>} : memref<5x160xf32, #tpu.memory_space<vmem>>, vector<16xf32>,
    %swap3A_193 = arith.constant 4 : i32
    %swap3A_194 = arith.index_cast %swap3A_193 : i32 to index
    %swap3A_195 = arith.constant 112 : index
    %swap3A_196 = tpu.vector_load %arg7[%swap3A_194, %swap3A_195] {strides = array<i32>} : memref<5x160xf32, #tpu.memory_space<vmem>>, vector<16xf32>,
    tpu.vector_store %arg7[%swap3A_194, %swap3A_195], %broadcast_in_dim3A_5 {strides = array<i32>} : memref<5x160xf32, #tpu.memory_space<vmem>>, vector<16xf32>,
    %swap3A_197 = arith.constant 4 : i32
    %swap3A_198 = arith.index_cast %swap3A_197 : i32 to index
    %swap3A_199 = arith.constant 128 : index
    %swap3A_200 = tpu.vector_load %arg7[%swap3A_198, %swap3A_199] {strides = array<i32>} : memref<5x160xf32, #tpu.memory_space<vmem>>, vector<16xf32>,
    tpu.vector_store %arg7[%swap3A_198, %swap3A_199], %broadcast_in_dim3A_5 {strides = array<i32>} : memref<5x160xf32, #tpu.memory_space<vmem>>, vector<16xf32>,
    %swap3A_201 = arith.constant 4 : i32
    %swap3A_202 = arith.index_cast %swap3A_201 : i32 to index
    %swap3A_203 = arith.constant 144 : index
    %swap3A_204 = tpu.vector_load %arg7[%swap3A_202, %swap3A_203] {strides = array<i32>} : memref<5x160xf32, #tpu.memory_space<vmem>>, vector<16xf32>,
    tpu.vector_store %arg7[%swap3A_202, %swap3A_203], %broadcast_in_dim3A_5 {strides = array<i32>} : memref<5x160xf32, #tpu.memory_space<vmem>>, vector<16xf32>,
    %iota3A = tpu.iota {dimensions = array<i32: 0>} : vector<16xi32>
    %eq3A = arith.constant 0 : i32
    %eq3A_205 = vector.broadcast %eq3A : i32 to vector<16xi32>
    %eq3A_206 = arith.cmpi eq, %iota3A, %eq3A_205 : vector<16xi32>
    %convert_element_type3A = arith.extui %eq3A_206 : vector<16xi1> to vector<16xi32>
    %convert_element_type3A_207 = arith.sitofp %convert_element_type3A : vector<16xi32> to vector<16xf32>
    %eq3A_208 = arith.constant 1 : i32
    %eq3A_209 = vector.broadcast %eq3A_208 : i32 to vector<16xi32>
    %eq3A_210 = arith.cmpi eq, %iota3A, %eq3A_209 : vector<16xi32>
    %convert_element_type3A_211 = arith.extui %eq3A_210 : vector<16xi1> to vector<16xi32>
    %convert_element_type3A_212 = arith.sitofp %convert_element_type3A_211 : vector<16xi32> to vector<16xf32>
    %xor3A = arith.constant 1 : i32
    %xor3A_213 = vector.broadcast %xor3A : i32 to vector<16xi32>
    %xor3A_214 = arith.xori %iota3A, %xor3A_213 : vector<16xi32>
    %xor3A_215 = arith.constant 2 : i32
    %xor3A_216 = vector.broadcast %xor3A_215 : i32 to vector<16xi32>
    %xor3A_217 = arith.xori %iota3A, %xor3A_216 : vector<16xi32>
    %xor3A_218 = arith.constant 4 : i32
    %xor3A_219 = vector.broadcast %xor3A_218 : i32 to vector<16xi32>
    %xor3A_220 = arith.xori %iota3A, %xor3A_219 : vector<16xi32>
    %xor3A_221 = arith.constant 8 : i32
    %xor3A_222 = vector.broadcast %xor3A_221 : i32 to vector<16xi32>
    %xor3A_223 = arith.xori %iota3A, %xor3A_222 : vector<16xi32>
    %add3A_224 = arith.constant 0 : i32
    %add3A_225 = vector.broadcast %add3A_224 : i32 to vector<16xi32>
    %add3A_226 = arith.addi %iota3A, %add3A_225 : vector<16xi32>
    %add3A_227 = arith.constant 16 : i32
    %add3A_228 = vector.broadcast %add3A_227 : i32 to vector<16xi32>
    %add3A_229 = arith.addi %iota3A, %add3A_228 : vector<16xi32>
    %add3A_230 = arith.constant 32 : i32
    %add3A_231 = vector.broadcast %add3A_230 : i32 to vector<16xi32>
    %add3A_232 = arith.addi %iota3A, %add3A_231 : vector<16xi32>
    %add3A_233 = arith.constant 48 : i32
    %add3A_234 = vector.broadcast %add3A_233 : i32 to vector<16xi32>
    %add3A_235 = arith.addi %iota3A, %add3A_234 : vector<16xi32>
    %add3A_236 = arith.constant 64 : i32
    %add3A_237 = vector.broadcast %add3A_236 : i32 to vector<16xi32>
    %add3A_238 = arith.addi %iota3A, %add3A_237 : vector<16xi32>
    %add3A_239 = arith.constant 80 : i32
    %add3A_240 = vector.broadcast %add3A_239 : i32 to vector<16xi32>
    %add3A_241 = arith.addi %iota3A, %add3A_240 : vector<16xi32>
    %add3A_242 = arith.constant 96 : i32
    %add3A_243 = vector.broadcast %add3A_242 : i32 to vector<16xi32>
    %add3A_244 = arith.addi %iota3A, %add3A_243 : vector<16xi32>
    %add3A_245 = arith.constant 112 : i32
    %add3A_246 = vector.broadcast %add3A_245 : i32 to vector<16xi32>
    %add3A_247 = arith.addi %iota3A, %add3A_246 : vector<16xi32>
    %add3A_248 = arith.constant 128 : i32
    %add3A_249 = vector.broadcast %add3A_248 : i32 to vector<16xi32>
    %add3A_250 = arith.addi %iota3A, %add3A_249 : vector<16xi32>
    %parallel_loop3A = arith.constant 0 : i32
    %parallel_loop3A_251 = arith.constant 256 : i32
    %parallel_loop3A_252 = arith.constant 1 : i32
    scf.for %parallel_loop3A_253 = %parallel_loop3A to %parallel_loop3A_251 step %parallel_loop3A_252  : i32 {
      %parallel_loop3A_254 = vector.broadcast %parallel_loop3A_253 : i32 to vector<16xi32>
      %parallel_loop3A_255 = tpu.vector_load_idx %arg6[%parallel_loop3A_254] : memref<256xi32, #tpu.memory_space<vmem>>[vector<16xi32>], vector<16xi32>,
      %parallel_loop3A_256 = arith.constant 128 : i32
      %parallel_loop3A_257 = arith.muli %parallel_loop3A_253, %parallel_loop3A_256 : i32
      %parallel_loop3A_258 = tpu.assume_multiple %parallel_loop3A_257, 128 : i32
      %parallel_loop3A_259 = arith.constant 0 : i32
      %parallel_loop3A_260 = arith.addi %parallel_loop3A_258, %parallel_loop3A_259 : i32
      %parallel_loop3A_261 = arith.index_cast %parallel_loop3A_260 : i32 to index
      %parallel_loop3A_262 = tpu.vector_load %arg5[%parallel_loop3A_261] {strides = array<i32>} : memref<32768xf32, #tpu.memory_space<vmem>>, vector<16xf32>,
      %parallel_loop3A_263 = arith.constant 16 : i32
      %parallel_loop3A_264 = arith.addi %parallel_loop3A_258, %parallel_loop3A_263 : i32
      %parallel_loop3A_265 = arith.index_cast %parallel_loop3A_264 : i32 to index
      %parallel_loop3A_266 = tpu.vector_load %arg5[%parallel_loop3A_265] {strides = array<i32>} : memref<32768xf32, #tpu.memory_space<vmem>>, vector<16xf32>,
      %parallel_loop3A_267 = arith.constant 32 : i32
      %parallel_loop3A_268 = arith.addi %parallel_loop3A_258, %parallel_loop3A_267 : i32
      %parallel_loop3A_269 = arith.index_cast %parallel_loop3A_268 : i32 to index
      %parallel_loop3A_270 = tpu.vector_load %arg5[%parallel_loop3A_269] {strides = array<i32>} : memref<32768xf32, #tpu.memory_space<vmem>>, vector<16xf32>,
      %parallel_loop3A_271 = arith.constant 48 : i32
      %parallel_loop3A_272 = arith.addi %parallel_loop3A_258, %parallel_loop3A_271 : i32
      %parallel_loop3A_273 = arith.index_cast %parallel_loop3A_272 : i32 to index
      %parallel_loop3A_274 = tpu.vector_load %arg5[%parallel_loop3A_273] {strides = array<i32>} : memref<32768xf32, #tpu.memory_space<vmem>>, vector<16xf32>,
      %parallel_loop3A_275 = arith.constant 64 : i32
      %parallel_loop3A_276 = arith.addi %parallel_loop3A_258, %parallel_loop3A_275 : i32
      %parallel_loop3A_277 = arith.index_cast %parallel_loop3A_276 : i32 to index
      %parallel_loop3A_278 = tpu.vector_load %arg5[%parallel_loop3A_277] {strides = array<i32>} : memref<32768xf32, #tpu.memory_space<vmem>>, vector<16xf32>,
      %parallel_loop3A_279 = arith.constant 80 : i32
      %parallel_loop3A_280 = arith.addi %parallel_loop3A_258, %parallel_loop3A_279 : i32
      %parallel_loop3A_281 = arith.index_cast %parallel_loop3A_280 : i32 to index
      %parallel_loop3A_282 = tpu.vector_load %arg5[%parallel_loop3A_281] {strides = array<i32>} : memref<32768xf32, #tpu.memory_space<vmem>>, vector<16xf32>,
      %parallel_loop3A_283 = arith.constant 96 : i32
      %parallel_loop3A_284 = arith.addi %parallel_loop3A_258, %parallel_loop3A_283 : i32
      %parallel_loop3A_285 = arith.index_cast %parallel_loop3A_284 : i32 to index
      %parallel_loop3A_286 = tpu.vector_load %arg5[%parallel_loop3A_285] {strides = array<i32>} : memref<32768xf32, #tpu.memory_space<vmem>>, vector<16xf32>,
      %parallel_loop3A_287 = arith.constant 112 : i32
      %parallel_loop3A_288 = arith.addi %parallel_loop3A_258, %parallel_loop3A_287 : i32
      %parallel_loop3A_289 = arith.index_cast %parallel_loop3A_288 : i32 to index
      %parallel_loop3A_290 = tpu.vector_load %arg5[%parallel_loop3A_289] {strides = array<i32>} : memref<32768xf32, #tpu.memory_space<vmem>>, vector<16xf32>,
      %parallel_loop3A_291 = arith.mulf %parallel_loop3A_262, %parallel_loop3A_262 : vector<16xf32>
      %parallel_loop3A_292 = arith.mulf %parallel_loop3A_266, %parallel_loop3A_266 : vector<16xf32>
      %parallel_loop3A_293 = arith.mulf %parallel_loop3A_270, %parallel_loop3A_270 : vector<16xf32>
      %parallel_loop3A_294 = arith.mulf %parallel_loop3A_274, %parallel_loop3A_274 : vector<16xf32>
      %parallel_loop3A_295 = arith.mulf %parallel_loop3A_278, %parallel_loop3A_278 : vector<16xf32>
      %parallel_loop3A_296 = arith.mulf %parallel_loop3A_282, %parallel_loop3A_282 : vector<16xf32>
      %parallel_loop3A_297 = arith.mulf %parallel_loop3A_286, %parallel_loop3A_286 : vector<16xf32>
      %parallel_loop3A_298 = arith.mulf %parallel_loop3A_290, %parallel_loop3A_290 : vector<16xf32>
      %parallel_loop3A_299 = arith.addf %parallel_loop3A_291, %parallel_loop3A_292 : vector<16xf32>
      %parallel_loop3A_300 = arith.addf %parallel_loop3A_293, %parallel_loop3A_294 : vector<16xf32>
      %parallel_loop3A_301 = arith.addf %parallel_loop3A_295, %parallel_loop3A_296 : vector<16xf32>
      %parallel_loop3A_302 = arith.addf %parallel_loop3A_297, %parallel_loop3A_298 : vector<16xf32>
      %parallel_loop3A_303 = arith.addf %parallel_loop3A_299, %parallel_loop3A_300 : vector<16xf32>
      %parallel_loop3A_304 = arith.addf %parallel_loop3A_301, %parallel_loop3A_302 : vector<16xf32>
      %parallel_loop3A_305 = arith.addf %parallel_loop3A_303, %parallel_loop3A_304 : vector<16xf32>
      %parallel_loop3A_306 = arith.constant 0 : i32
      %parallel_loop3A_307 = vector.broadcast %parallel_loop3A_306 : i32 to vector<16xi32>
      %parallel_loop3A_308 = arith.cmpi slt, %xor3A_214, %parallel_loop3A_307 : vector<16xi32>
      %parallel_loop3A_309 = arith.constant 16 : i32
      %parallel_loop3A_310 = vector.broadcast %parallel_loop3A_309 : i32 to vector<16xi32>
      %parallel_loop3A_311 = arith.addi %xor3A_214, %parallel_loop3A_310 : vector<16xi32>
      %parallel_loop3A_312 = arith.select %parallel_loop3A_308, %parallel_loop3A_311, %xor3A_214 : vector<16xi1>, vector<16xi32>
      %parallel_loop3A_313 = vector.shape_cast %parallel_loop3A_312 : vector<16xi32> to vector<16x1xi32>
      %parallel_loop3A_314 = vector.shape_cast %parallel_loop3A_313 : vector<16x1xi32> to vector<16xi32>
      %parallel_loop3A_315 = tpu.dynamic_gather %parallel_loop3A_305[%parallel_loop3A_314] in [0] : vector<16xf32>, vector<16xi32> -> vector<16xf32>
      %parallel_loop3A_316 = arith.addf %parallel_loop3A_305, %parallel_loop3A_315 : vector<16xf32>
      %parallel_loop3A_317 = arith.constant 0 : i32
      %parallel_loop3A_318 = vector.broadcast %parallel_loop3A_317 : i32 to vector<16xi32>
      %parallel_loop3A_319 = arith.cmpi slt, %xor3A_217, %parallel_loop3A_318 : vector<16xi32>
      %parallel_loop3A_320 = arith.constant 16 : i32
      %parallel_loop3A_321 = vector.broadcast %parallel_loop3A_320 : i32 to vector<16xi32>
      %parallel_loop3A_322 = arith.addi %xor3A_217, %parallel_loop3A_321 : vector<16xi32>
      %parallel_loop3A_323 = arith.select %parallel_loop3A_319, %parallel_loop3A_322, %xor3A_217 : vector<16xi1>, vector<16xi32>
      %parallel_loop3A_324 = vector.shape_cast %parallel_loop3A_323 : vector<16xi32> to vector<16x1xi32>
      %parallel_loop3A_325 = vector.shape_cast %parallel_loop3A_324 : vector<16x1xi32> to vector<16xi32>
      %parallel_loop3A_326 = tpu.dynamic_gather %parallel_loop3A_316[%parallel_loop3A_325] in [0] : vector<16xf32>, vector<16xi32> -> vector<16xf32>
      %parallel_loop3A_327 = arith.addf %parallel_loop3A_316, %parallel_loop3A_326 : vector<16xf32>
      %parallel_loop3A_328 = arith.constant 0 : i32
      %parallel_loop3A_329 = vector.broadcast %parallel_loop3A_328 : i32 to vector<16xi32>
      %parallel_loop3A_330 = arith.cmpi slt, %xor3A_220, %parallel_loop3A_329 : vector<16xi32>
      %parallel_loop3A_331 = arith.constant 16 : i32
      %parallel_loop3A_332 = vector.broadcast %parallel_loop3A_331 : i32 to vector<16xi32>
      %parallel_loop3A_333 = arith.addi %xor3A_220, %parallel_loop3A_332 : vector<16xi32>
      %parallel_loop3A_334 = arith.select %parallel_loop3A_330, %parallel_loop3A_333, %xor3A_220 : vector<16xi1>, vector<16xi32>
      %parallel_loop3A_335 = vector.shape_cast %parallel_loop3A_334 : vector<16xi32> to vector<16x1xi32>
      %parallel_loop3A_336 = vector.shape_cast %parallel_loop3A_335 : vector<16x1xi32> to vector<16xi32>
      %parallel_loop3A_337 = tpu.dynamic_gather %parallel_loop3A_327[%parallel_loop3A_336] in [0] : vector<16xf32>, vector<16xi32> -> vector<16xf32>
      %parallel_loop3A_338 = arith.addf %parallel_loop3A_327, %parallel_loop3A_337 : vector<16xf32>
      %parallel_loop3A_339 = arith.constant 0 : i32
      %parallel_loop3A_340 = vector.broadcast %parallel_loop3A_339 : i32 to vector<16xi32>
      %parallel_loop3A_341 = arith.cmpi slt, %xor3A_223, %parallel_loop3A_340 : vector<16xi32>
      %parallel_loop3A_342 = arith.constant 16 : i32
      %parallel_loop3A_343 = vector.broadcast %parallel_loop3A_342 : i32 to vector<16xi32>
      %parallel_loop3A_344 = arith.addi %xor3A_223, %parallel_loop3A_343 : vector<16xi32>
      %parallel_loop3A_345 = arith.select %parallel_loop3A_341, %parallel_loop3A_344, %xor3A_223 : vector<16xi1>, vector<16xi32>
      %parallel_loop3A_346 = vector.shape_cast %parallel_loop3A_345 : vector<16xi32> to vector<16x1xi32>
      %parallel_loop3A_347 = vector.shape_cast %parallel_loop3A_346 : vector<16x1xi32> to vector<16xi32>
      %parallel_loop3A_348 = tpu.dynamic_gather %parallel_loop3A_338[%parallel_loop3A_347] in [0] : vector<16xf32>, vector<16xi32> -> vector<16xf32>
      %parallel_loop3A_349 = arith.addf %parallel_loop3A_338, %parallel_loop3A_348 : vector<16xf32>
      %parallel_loop3A_350 = arith.constant 1.000000e-24 : f32
      %parallel_loop3A_351 = vector.broadcast %parallel_loop3A_350 : f32 to vector<16xf32>
      %parallel_loop3A_352 = arith.maximumf %parallel_loop3A_349, %parallel_loop3A_351 : vector<16xf32>
      %parallel_loop3A_353 = vector.bitcast %parallel_loop3A_352 : vector<16xf32> to vector<16xi32>
      %parallel_loop3A_354 = arith.constant 1 : i32
      %parallel_loop3A_355 = vector.broadcast %parallel_loop3A_354 : i32 to vector<16xi32>
      %parallel_loop3A_356 = arith.shrui %parallel_loop3A_353, %parallel_loop3A_355 : vector<16xi32>
      %parallel_loop3A_357 = arith.constant 1597463007 : i32
      %parallel_loop3A_358 = vector.broadcast %parallel_loop3A_357 : i32 to vector<16xi32>
      %parallel_loop3A_359 = arith.subi %parallel_loop3A_358, %parallel_loop3A_356 : vector<16xi32>
      %parallel_loop3A_360 = vector.bitcast %parallel_loop3A_359 : vector<16xi32> to vector<16xf32>
      %parallel_loop3A_361 = arith.constant 5.000000e-01 : f32
      %parallel_loop3A_362 = vector.broadcast %parallel_loop3A_361 : f32 to vector<16xf32>
      %parallel_loop3A_363 = arith.mulf %parallel_loop3A_352, %parallel_loop3A_362 : vector<16xf32>
      %parallel_loop3A_364 = arith.mulf %parallel_loop3A_363, %parallel_loop3A_360 : vector<16xf32>
      %parallel_loop3A_365 = arith.mulf %parallel_loop3A_364, %parallel_loop3A_360 : vector<16xf32>
      %parallel_loop3A_366 = arith.constant 1.500000e+00 : f32
      %parallel_loop3A_367 = vector.broadcast %parallel_loop3A_366 : f32 to vector<16xf32>
      %parallel_loop3A_368 = arith.subf %parallel_loop3A_367, %parallel_loop3A_365 : vector<16xf32>
      %parallel_loop3A_369 = arith.mulf %parallel_loop3A_360, %parallel_loop3A_368 : vector<16xf32>
      %parallel_loop3A_370 = arith.mulf %parallel_loop3A_363, %parallel_loop3A_369 : vector<16xf32>
      %parallel_loop3A_371 = arith.mulf %parallel_loop3A_370, %parallel_loop3A_369 : vector<16xf32>
      %parallel_loop3A_372 = arith.constant 1.500000e+00 : f32
      %parallel_loop3A_373 = vector.broadcast %parallel_loop3A_372 : f32 to vector<16xf32>
      %parallel_loop3A_374 = arith.subf %parallel_loop3A_373, %parallel_loop3A_371 : vector<16xf32>
      %parallel_loop3A_375 = arith.mulf %parallel_loop3A_369, %parallel_loop3A_374 : vector<16xf32>
      %parallel_loop3A_376 = arith.mulf %parallel_loop3A_262, %parallel_loop3A_375 : vector<16xf32>
      tpu.vector_store_idx %arg7[%parallel_loop3A_255, %add3A_226], %parallel_loop3A_376 {add = true} : memref<5x160xf32, #tpu.memory_space<vmem>>[vector<16xi32>, vector<16xi32>], vector<16xf32>,
      %parallel_loop3A_377 = arith.mulf %parallel_loop3A_266, %parallel_loop3A_375 : vector<16xf32>
      tpu.vector_store_idx %arg7[%parallel_loop3A_255, %add3A_229], %parallel_loop3A_377 {add = true} : memref<5x160xf32, #tpu.memory_space<vmem>>[vector<16xi32>, vector<16xi32>], vector<16xf32>,
      %parallel_loop3A_378 = arith.mulf %parallel_loop3A_270, %parallel_loop3A_375 : vector<16xf32>
      tpu.vector_store_idx %arg7[%parallel_loop3A_255, %add3A_232], %parallel_loop3A_378 {add = true} : memref<5x160xf32, #tpu.memory_space<vmem>>[vector<16xi32>, vector<16xi32>], vector<16xf32>,
      %parallel_loop3A_379 = arith.mulf %parallel_loop3A_274, %parallel_loop3A_375 : vector<16xf32>
      tpu.vector_store_idx %arg7[%parallel_loop3A_255, %add3A_235], %parallel_loop3A_379 {add = true} : memref<5x160xf32, #tpu.memory_space<vmem>>[vector<16xi32>, vector<16xi32>], vector<16xf32>,
      %parallel_loop3A_380 = arith.mulf %parallel_loop3A_278, %parallel_loop3A_375 : vector<16xf32>
      tpu.vector_store_idx %arg7[%parallel_loop3A_255, %add3A_238], %parallel_loop3A_380 {add = true} : memref<5x160xf32, #tpu.memory_space<vmem>>[vector<16xi32>, vector<16xi32>], vector<16xf32>,
      %parallel_loop3A_381 = arith.mulf %parallel_loop3A_282, %parallel_loop3A_375 : vector<16xf32>
      tpu.vector_store_idx %arg7[%parallel_loop3A_255, %add3A_241], %parallel_loop3A_381 {add = true} : memref<5x160xf32, #tpu.memory_space<vmem>>[vector<16xi32>, vector<16xi32>], vector<16xf32>,
      %parallel_loop3A_382 = arith.mulf %parallel_loop3A_286, %parallel_loop3A_375 : vector<16xf32>
      tpu.vector_store_idx %arg7[%parallel_loop3A_255, %add3A_244], %parallel_loop3A_382 {add = true} : memref<5x160xf32, #tpu.memory_space<vmem>>[vector<16xi32>, vector<16xi32>], vector<16xf32>,
      %parallel_loop3A_383 = arith.mulf %parallel_loop3A_290, %parallel_loop3A_375 : vector<16xf32>
      tpu.vector_store_idx %arg7[%parallel_loop3A_255, %add3A_247], %parallel_loop3A_383 {add = true} : memref<5x160xf32, #tpu.memory_space<vmem>>[vector<16xi32>, vector<16xi32>], vector<16xf32>,
      %parallel_loop3A_384 = arith.mulf %parallel_loop3A_349, %parallel_loop3A_375 : vector<16xf32>
      %parallel_loop3A_385 = arith.mulf %parallel_loop3A_384, %parallel_loop3A_375 : vector<16xf32>
      %parallel_loop3A_386 = arith.mulf %convert_element_type3A_207, %parallel_loop3A_385 : vector<16xf32>
      %parallel_loop3A_387 = arith.addf %parallel_loop3A_386, %convert_element_type3A_212 : vector<16xf32>
      tpu.vector_store_idx %arg7[%parallel_loop3A_255, %add3A_250], %parallel_loop3A_387 {add = true} : memref<5x160xf32, #tpu.memory_space<vmem>>[vector<16xi32>, vector<16xi32>], vector<16xf32>,
    } {sc.loop_unroll_factor = 8 : i64, sc.parallel_access}
    "tpu.region"() ({
      %run_scoped3A = tpu.sem_alloc : memref<!tpu.dma_semaphore, #tpu.memory_space<semaphore_mem>>
      %dma_start3A = arith.constant 0 : i32
      %dma_start3A_253 = arith.constant 0 : i32
      %dma_start3A_254 = tpu.memref_slice %arg4[%add3A, %dma_start3A, %dma_start3A_253] : memref<32x5x160xf32, #tpu.memory_space<hbm>> -> memref<1x5x160xf32, #tpu.memory_space<hbm>>
      %dma_start3A_255 = tpu.memref_squeeze %dma_start3A_254 : memref<1x5x160xf32, #tpu.memory_space<hbm>> -> memref<5x160xf32, #tpu.memory_space<hbm>>
      %dma_start3A_256 = arith.constant 0 : i32
      %dma_start3A_257 = arith.constant 0 : i32
      %dma_start3A_258 = tpu.memref_slice %arg4[%add3A, %dma_start3A_256, %dma_start3A_257] : memref<32x5x160xf32, #tpu.memory_space<hbm>> -> memref<1x5x160xf32, #tpu.memory_space<hbm>>
      %dma_start3A_259 = tpu.memref_squeeze %dma_start3A_258 : memref<1x5x160xf32, #tpu.memory_space<hbm>> -> memref<5x160xf32, #tpu.memory_space<hbm>>
      tpu.enqueue_dma source(%arg7 : memref<5x160xf32, #tpu.memory_space<vmem>>) target(%dma_start3A_259 : memref<5x160xf32, #tpu.memory_space<hbm>>) target_semaphore(%run_scoped3A : memref<!tpu.dma_semaphore, #tpu.memory_space<semaphore_mem>>)
      %dma_wait3A = arith.constant 0 : i32
      %dma_wait3A_260 = arith.constant 0 : i32
      %dma_wait3A_261 = tpu.memref_slice %arg4[%add3A, %dma_wait3A, %dma_wait3A_260] : memref<32x5x160xf32, #tpu.memory_space<hbm>> -> memref<1x5x160xf32, #tpu.memory_space<hbm>>
      %dma_wait3A_262 = tpu.memref_squeeze %dma_wait3A_261 : memref<1x5x160xf32, #tpu.memory_space<hbm>> -> memref<5x160xf32, #tpu.memory_space<hbm>>
      %dma_wait3A_263 = arith.constant 0 : i32
      %dma_wait3A_264 = arith.constant 0 : i32
      %dma_wait3A_265 = tpu.memref_slice %arg4[%add3A, %dma_wait3A_263, %dma_wait3A_264] : memref<32x5x160xf32, #tpu.memory_space<hbm>> -> memref<1x5x160xf32, #tpu.memory_space<hbm>>
      %dma_wait3A_266 = tpu.memref_squeeze %dma_wait3A_265 : memref<1x5x160xf32, #tpu.memory_space<hbm>> -> memref<5x160xf32, #tpu.memory_space<hbm>>
      tpu.wait_dma2 semaphore(%run_scoped3A : memref<!tpu.dma_semaphore, #tpu.memory_space<semaphore_mem>>) src(%arg7 : memref<5x160xf32, #tpu.memory_space<vmem>>) dst(%dma_wait3A_266 : memref<5x160xf32, #tpu.memory_space<hbm>>)
      tpu.yield
    }) : () -> ()
    return
  }
}

module attributes {stable_mosaic.version = 14 : i64} {
  func.func @_tc_partial_body(%arg0: i32, %arg1: memref<2048x128xf32, #tpu.memory_space<vmem>>, %arg2: memref<2048x1xi32, #tpu.memory_space<vmem>>, %arg3: memref<5x160xf32, #tpu.memory_space<vmem>>) attributes {dimension_semantics = [#tpu.dimension_semantics<arbitrary>], iteration_bounds = array<i64: 4>, scalar_prefetch = 0 : i64, scratch_operands = 0 : i64, tpu.core_type = #tpu.core_type<tc>, window_params = [{transform_indices = @transform_0, window_bounds = array<i64: 2048, 128>}, {transform_indices = @transform_1, window_bounds = array<i64: 2048, 1>}, {pipeline_mode = #tpu.pipeline_mode<synchronous>, transform_indices = @transform_2, window_bounds = array<i64: 5, 160>}]} {
    %eq3A = arith.constant 0 : i32
    %eq3A_0 = arith.cmpi eq, %arg0, %eq3A : i32
    %convert_element_type3A = arith.extui %eq3A_0 : i1 to i32
    %cond3A = arith.constant 0 : i32
    %cond3A_1 = arith.cmpi ne, %convert_element_type3A, %cond3A : i32
    scf.if %cond3A_1 {
      %broadcast_in_dim3A_34 = arith.constant 0.000000e+00 : f32
      %broadcast_in_dim3A_35 = vector.broadcast %broadcast_in_dim3A_34 : f32 to vector<5x160xf32>
      %swap3A_36 = arith.constant 0 : index
      %swap3A_37 = arith.constant 0 : index
      %swap3A_38 = vector.load %arg3[%swap3A_36, %swap3A_37] : memref<5x160xf32, #tpu.memory_space<vmem>>, vector<5x160xf32>
      tpu.vector_store %arg3[%swap3A_36, %swap3A_37], %broadcast_in_dim3A_35 {strides = array<i32>} : memref<5x160xf32, #tpu.memory_space<vmem>>, vector<5x160xf32>,
    } else {
    }
    %get3A = arith.constant 0 : index
    %get3A_2 = arith.constant 0 : index
    %get3A_3 = vector.load %arg1[%get3A, %get3A_2] : memref<2048x128xf32, #tpu.memory_space<vmem>>, vector<2048x128xf32>
    %mul3A = arith.mulf %get3A_3, %get3A_3 : vector<2048x128xf32>
    %reduce_sum3A = arith.constant dense<0.000000e+00> : vector<2048xf32>
    %reduce_sum3A_4 = vector.multi_reduction <add>, %mul3A, %reduce_sum3A [1] : vector<2048x128xf32> to vector<2048xf32>
    %broadcast_in_dim3A = vector.shape_cast %reduce_sum3A_4 : vector<2048xf32> to vector<2048x1xf32>
    %sqrt3A = math.sqrt %broadcast_in_dim3A : vector<2048x1xf32>
    %max3A = arith.constant 9.99999996E-13 : f32
    %max3A_5 = vector.broadcast %max3A : f32 to vector<2048x1xf32>
    %max3A_6 = arith.maximumf %sqrt3A, %max3A_5 : vector<2048x1xf32>
    %div3A = arith.constant 1.000000e+00 : f32
    %div3A_7 = vector.broadcast %div3A : f32 to vector<2048x1xf32>
    %div3A_8 = arith.divf %div3A_7, %max3A_6 : vector<2048x1xf32>
    %mul3A_9 = arith.mulf %broadcast_in_dim3A, %div3A_8 : vector<2048x1xf32>
    %mul3A_10 = arith.mulf %mul3A_9, %div3A_8 : vector<2048x1xf32>
    %get3A_11 = arith.constant 0 : index
    %get3A_12 = arith.constant 0 : index
    %get3A_13 = vector.load %arg2[%get3A_11, %get3A_12] : memref<2048x1xi32, #tpu.memory_space<vmem>>, vector<2048x1xi32>
    %iota3A = tpu.iota {dimensions = array<i32: 1>} : vector<1x5xi32>
    %eq3A_14 = vector.broadcast %get3A_13 : vector<2048x1xi32> to vector<2048x5xi32>
    %eq3A_15 = vector.broadcast %iota3A : vector<1x5xi32> to vector<2048x5xi32>
    %eq3A_16 = arith.cmpi eq, %eq3A_14, %eq3A_15 : vector<2048x5xi32>
    %convert_element_type3A_17 = arith.extui %eq3A_16 : vector<2048x5xi1> to vector<2048x5xi32>
    %convert_element_type3A_18 = arith.sitofp %convert_element_type3A_17 : vector<2048x5xi32> to vector<2048x5xf32>
    %mul3A_19 = vector.broadcast %div3A_8 : vector<2048x1xf32> to vector<2048x5xf32>
    %mul3A_20 = arith.mulf %convert_element_type3A_18, %mul3A_19 : vector<2048x5xf32>
    %dot_general3A = arith.constant dense<0.000000e+00> : vector<5x128xf32>
    %dot_general3A_21 = tpu.matmul %mul3A_20, %get3A_3, %dot_general3A {dimension_numbers = #tpu.dot_dimension_numbers<[0], [0], [1], [1], [0, 1, 1, 1], [], []>, transpose_lhs_hint = false} : vector<2048x5xf32>, vector<2048x128xf32>, vector<5x128xf32> -> vector<5x128xf32>
    %broadcast_in_dim3A_22 = arith.constant 1.000000e+00 : f32
    %broadcast_in_dim3A_23 = vector.broadcast %broadcast_in_dim3A_22 : f32 to vector<2048x1xf32>
    %concatenate3A = tpu.concatenate %mul3A_10, %broadcast_in_dim3A_23 in 1 : vector<2048x1xf32>, vector<2048x1xf32> -> vector<2048x2xf32>
    %dot_general3A_24 = arith.constant dense<0.000000e+00> : vector<5x2xf32>
    %dot_general3A_25 = tpu.matmul %convert_element_type3A_18, %concatenate3A, %dot_general3A_24 {dimension_numbers = #tpu.dot_dimension_numbers<[0], [0], [1], [1], [0, 1, 1, 1], [], []>, transpose_lhs_hint = false} : vector<2048x5xf32>, vector<2048x2xf32>, vector<5x2xf32> -> vector<5x2xf32>
    %broadcast_in_dim3A_26 = arith.constant 0.000000e+00 : f32
    %broadcast_in_dim3A_27 = vector.broadcast %broadcast_in_dim3A_26 : f32 to vector<5x30xf32>
    %concatenate3A_28 = tpu.concatenate %dot_general3A_21, %dot_general3A_25, %broadcast_in_dim3A_27 in 1 : vector<5x128xf32>, vector<5x2xf32>, vector<5x30xf32> -> vector<5x160xf32>
    %get3A_29 = arith.constant 0 : index
    %get3A_30 = arith.constant 0 : index
    %get3A_31 = vector.load %arg3[%get3A_29, %get3A_30] : memref<5x160xf32, #tpu.memory_space<vmem>>, vector<5x160xf32>
    %add3A = arith.addf %get3A_31, %concatenate3A_28 : vector<5x160xf32>
    %swap3A = arith.constant 0 : index
    %swap3A_32 = arith.constant 0 : index
    %swap3A_33 = vector.load %arg3[%swap3A, %swap3A_32] : memref<5x160xf32, #tpu.memory_space<vmem>>, vector<5x160xf32>
    tpu.vector_store %arg3[%swap3A, %swap3A_32], %add3A {strides = array<i32>} : memref<5x160xf32, #tpu.memory_space<vmem>>, vector<5x160xf32>,
    return
  }
  func.func @transform_0(%arg0: i32) -> (i32, i32) {
    %add3A = arith.constant 4 : i32
    %add3A_0 = arith.addi %add3A, %arg0 : i32
    %c0_i32 = arith.constant 0 : i32
    %c0_i32_1 = arith.constant 0 : i32
    return %add3A_0, %c0_i32 : i32, i32
  }
  func.func @transform_1(%arg0: i32) -> (i32, i32) {
    %add3A = arith.constant 4 : i32
    %add3A_0 = arith.addi %add3A, %arg0 : i32
    %c0_i32 = arith.constant 0 : i32
    %c0_i32_1 = arith.constant 0 : i32
    return %add3A_0, %c0_i32 : i32, i32
  }
  func.func @transform_2(%arg0: i32) -> (i32, i32) {
    %c0_i32 = arith.constant 0 : i32
    %c0_i32_0 = arith.constant 0 : i32
    %c0_i32_1 = arith.constant 0 : i32
    return %c0_i32, %c0_i32_0 : i32, i32
  }
}

module attributes {stable_mosaic.version = 14 : i64} {
  func.func @_tc_finish_body(%arg0: memref<32x5x160xf32, #tpu.memory_space<vmem>>, %arg1: memref<5x160xf32, #tpu.memory_space<vmem>>, %arg2: memref<1000x128xf32, #tpu.memory_space<vmem>>, %arg3: memref<1x1xf32, #tpu.memory_space<vmem>>) attributes {dimension_semantics = [], scalar_prefetch = 0 : i64, scratch_operands = 0 : i64, tpu.core_type = #tpu.core_type<tc>} {
    %get3A = arith.constant 0 : index
    %get3A_0 = arith.constant 0 : index
    %get3A_1 = arith.constant 0 : index
    %get3A_2 = vector.load %arg0[%get3A, %get3A_0, %get3A_1] : memref<32x5x160xf32, #tpu.memory_space<vmem>>, vector<32x5x160xf32>
    %reduce_sum3A = arith.constant dense<0.000000e+00> : vector<5x160xf32>
    %reduce_sum3A_3 = vector.multi_reduction <add>, %get3A_2, %reduce_sum3A [0] : vector<32x5x160xf32> to vector<5x160xf32>
    %get3A_4 = arith.constant 0 : index
    %get3A_5 = arith.constant 0 : index
    %get3A_6 = vector.load %arg1[%get3A_4, %get3A_5] : memref<5x160xf32, #tpu.memory_space<vmem>>, vector<5x160xf32>
    %add3A = arith.addf %reduce_sum3A_3, %get3A_6 : vector<5x160xf32>
    %slice3A = vector.extract_strided_slice %add3A {offsets = [0, 0], sizes = [5, 128], strides = [1, 1]} : vector<5x160xf32> to vector<5x128xf32>
    %slice3A_7 = vector.extract_strided_slice %add3A {offsets = [0, 128], sizes = [5, 1], strides = [1, 1]} : vector<5x160xf32> to vector<5x1xf32>
    %slice3A_8 = vector.extract_strided_slice %add3A {offsets = [0, 129], sizes = [5, 1], strides = [1, 1]} : vector<5x160xf32> to vector<5x1xf32>
    %get3A_9 = arith.constant 0 : index
    %get3A_10 = arith.constant 0 : index
    %get3A_11 = vector.load %arg2[%get3A_9, %get3A_10] : memref<1000x128xf32, #tpu.memory_space<vmem>>, vector<5x128xf32>
    %mul3A = arith.mulf %slice3A, %get3A_11 : vector<5x128xf32>
    %reduce_sum3A_12 = arith.constant dense<0.000000e+00> : vector<5xf32>
    %reduce_sum3A_13 = vector.multi_reduction <add>, %mul3A, %reduce_sum3A_12 [1] : vector<5x128xf32> to vector<5xf32>
    %broadcast_in_dim3A = vector.shape_cast %reduce_sum3A_13 : vector<5xf32> to vector<5x1xf32>
    %mul3A_14 = arith.constant 2.000000e+00 : f32
    %mul3A_15 = vector.broadcast %mul3A_14 : f32 to vector<5x1xf32>
    %mul3A_16 = arith.mulf %mul3A_15, %broadcast_in_dim3A : vector<5x1xf32>
    %sub3A = arith.subf %slice3A_7, %mul3A_16 : vector<5x1xf32>
    %mul3A_17 = arith.mulf %get3A_11, %get3A_11 : vector<5x128xf32>
    %reduce_sum3A_18 = arith.constant dense<0.000000e+00> : vector<5xf32>
    %reduce_sum3A_19 = vector.multi_reduction <add>, %mul3A_17, %reduce_sum3A_18 [1] : vector<5x128xf32> to vector<5xf32>
    %broadcast_in_dim3A_20 = vector.shape_cast %reduce_sum3A_19 : vector<5xf32> to vector<5x1xf32>
    %mul3A_21 = arith.mulf %slice3A_8, %broadcast_in_dim3A_20 : vector<5x1xf32>
    %add3A_22 = arith.addf %sub3A, %mul3A_21 : vector<5x1xf32>
    %add3A_23 = arith.constant 1.000000e+00 : f32
    %add3A_24 = vector.broadcast %add3A_23 : f32 to vector<5x1xf32>
    %add3A_25 = arith.addf %slice3A_8, %add3A_24 : vector<5x1xf32>
    %div3A = arith.divf %add3A_22, %add3A_25 : vector<5x1xf32>
    %reduce_sum3A_26 = vector.shape_cast %div3A : vector<5x1xf32> to vector<1x5x1xf32>
    %reduce_sum3A_27 = arith.constant dense<0.000000e+00> : vector<1xf32>
    %reduce_sum3A_28 = vector.multi_reduction <add>, %reduce_sum3A_26, %reduce_sum3A_27 [1, 2] : vector<1x5x1xf32> to vector<1xf32>
    %reduce_sum3A_29 = vector.shape_cast %reduce_sum3A_28 : vector<1xf32> to vector<1x1x1xf32>
    %reduce_sum3A_30 = vector.extract %reduce_sum3A_29[0, 0, 0] : f32 from vector<1x1x1xf32>
    %mul3A_31 = arith.constant 6.10351563E-5 : f32
    %mul3A_32 = arith.mulf %reduce_sum3A_30, %mul3A_31 : f32
    %broadcast_in_dim3A_33 = vector.broadcast %mul3A_32 : f32 to vector<1x1xf32>
    %swap3A = arith.constant 0 : index
    %swap3A_34 = arith.constant 0 : index
    %swap3A_35 = vector.load %arg3[%swap3A, %swap3A_34] : memref<1x1xf32, #tpu.memory_space<vmem>>, vector<1x1xf32>
    tpu.vector_store %arg3[%swap3A, %swap3A_34], %broadcast_in_dim3A_33 {strides = array<i32>} : memref<1x1xf32, #tpu.memory_space<vmem>>, vector<1x1xf32>,
    return
  }
}

</mosaic_0001>

<sc_bundles>
// kernel: kernel.5.cloned.1.call-start
scs
__scs_entry_jumppad:
0x0: {  	(pc) =	sbr.rel $0x88, $3  }
0x1: {  	(tag) =	ssettag $0x0;
	lr =	simm.s32 $0x1  }
0x2: {  	[smem:$0x3F9E] =	sst lr;
	_ =	strace $0xD0000000  }
0x3: {  	_ = 	snop  }
0x4: {  	_ = 	snop  }
0x5: {  	_ = 	snop  }
0x6: {  	_ = 	snop  }
0x7: {  	_ = 	snop  }
__scs_overlays_trampoline_lowered:
0x8: {  	[smem:$0x3FAD] =	sst s0  }
0x9: {  	[smem:$0x3FAE] =	sst s1  }
0xa: {  	[smem:$0x3FAF] =	sst s2  }
0xb: {  	[smem:$0x3FB0] =	sst s3  }
0xc: {  	[smem:$0x3FB1] =	sst s4  }
0xd: {  	[smem:$0x3FB2] =	sst s5  }
0xe: {  	[smem:$0x3FB3] =	sst s6  }
0xf: {  	[smem:$0x3FB4] =	sst s7  }
0x10: {  	[smem:$0x3FB5] =	sst s8  }
0x11: {  	[smem:$0x3FB6] =	sst s9;
	s0 =	simm.s32 @!p0 $0x0  }
0x12: {  	s1 =	sld [smem:$0x3F9C];
	s0 =	simm.s32 @p0 $0x1  }
0x13: {  	[smem:$0x3FB7] =	sst s0;
	s0 =	simm.s32 @!p1 $0x0  }
0x14: {  	s2 =	sld [smem:$0x3F9B];
	s0 =	simm.s32 @p1 $0x1  }
0x15: {  	[smem:$0x3FB8] =	sst s0;
	s0 =	simm.s32 @!p2 $0x0  }
0x16: {  	s3 =	sld [smem:$0x3FDB];
	s0 =	simm.s32 @p2 $0x1  }
0x17: {  	s4 =	simm.s32 $0x1BF5;
	[smem:$0x3FBA] =	sst s0  }
0x18: {  	s0 =	sld [smem:$0x3F9D];
	_ =	swait.ge [sflag:s4], $0x0  }
0x19: {  	s7 =	sld [smem:$0x3F9E]  }
0x1a: {  	s8 =	sadd.s32 $0xFFFFE003, lr  }
0x1b: {  	s9 =	sadd.s32 $0xFFFFFEF7, lr;
	s5 =	simm.s32 $0xFFFFFFFF;
	p2 =	slt.u32 s8, $0xFFFFF086  }
0x1c: {  	p1 =	slt.u32 s9, $0xF7A;
	s5 =	simm.s32 @!p2 $0x0  }
0x1d: {  	s5 =	simm.s32 @p1 $0x1;
	p0 =	seq.s32 s7, s2  }
0x1e: {  	s7 =	smul.u32 @!p0 $0xF7A, s2;
	p2 =	seq.s32 @!p0 s5, $0x0  }
0x1f: {  	s9 =	smul.u32 $0xF7A, s1;
	s8 =	simm.s32 @!p0 $0x1BF5;
	p2 =	por !p2, p0  }
0x20: {  	[sflag:s8] =	ssyncset.s32 @!p0 $0xFFFFF086;
	s6 =	sadd.s32 @!p0 s3, s7;
	s7 =	simm.s32 @!p0 $0x108  }
0x21: {  	s3 =	sadd.s32 s3, s9;
	s6 =	sadd.s32 @!p0 $0x88, s6;
	s7 =	simm.s32 @p2 $0x1082  }
0x22: {  	[simem:s7], [sflag:s8] =	dma.local @!p0 [hbm:s6], $0xF7A  }
0x23: {  	s9 =	sor.u32 $0xD0000000, s2;
	s6 =	simm.s32 $0x108;
	_ =	swait.ge @!p0 [sflag:s8], $0x0  }
0x24: {  	s3 =	sadd.s32 $0x88, s3;
	s6 =	simm.s32 @!p1 $0x1082;
	[sflag:s4] =	ssyncset.s32 $0xFFFFF086  }
0x25: {  	[simem:s6], [sflag:s4] =	dma.local [hbm:s3], $0xF7A  }
0x26: {  	[smem:$0x3F9E] =	sst s1;
	(tag) =	ssettag s2;
	_ =	strace s9  }
0x27: {  	s1 =	sld [smem:$0x3FAE]  }
0x28: {  	s2 =	sld [smem:$0x3FAF]  }
0x29: {  	s4 =	sld [smem:$0x3FB1]  }
0x2a: {  	p0 =	seq.s32 s5, $0x0;
	s5 =	sld [smem:$0x3FB2]  }
0x2b: {  	s6 =	sld [smem:$0x3FB3]  }
0x2c: {  	s7 =	sld [smem:$0x3FB4]  }
0x2d: {  	s3 =	simm.s32 $0x108;
	s8 =	sld [smem:$0x3FB5]  }
0x2e: {  	s3 =	simm.s32 @!p0 $0x1082;
	s9 =	sld [smem:$0x3FB6]  }
0x2f: {  	lr =	sadd.s32 s0, s3;
	s0 =	sld [smem:$0x3FAD]  }
0x30: {  	s3 =	sld [smem:$0x3FB0]  }
0x31: {  	[smem:$0x3FB9] =	sst s10  }
0x32: {  	s10 =	sld [smem:$0x3FB7];
	_ =	sdelay $0x3  }
0x33: {  	p0 =	seq.s32 s10, $0x1;
	s10 =	sld [smem:$0x3FB9];
	_ =	sdelay $0x3  }
0x34: {  	[smem:$0x3FB9] =	sst s10  }
0x35: {  	s10 =	sld [smem:$0x3FB8];
	_ =	sdelay $0x3  }
0x36: {  	p1 =	seq.s32 s10, $0x1;
	s10 =	sld [smem:$0x3FB9];
	_ =	sdelay $0x3  }
0x37: {  	[smem:$0x3FB9] =	sst s10  }
0x38: {  	s10 =	sld [smem:$0x3FBA]  }
0x39: {  	_ = 	snop;
	(pc) =	sbr.ind lr, $3  }
0x3a: {  	_ = 	snop  }
0x3b: {  	_ = 	snop  }
0x3c: {  	p2 =	seq.s32 s10, $0x1;
	s10 =	sld [smem:$0x3FB9]  }
0x3d: {  	_ =	shalt  }
0x3e: {  	_ =	shalt  }
0x3f: {  	_ =	shalt  }
0x40: {  	_ =	shalt  }
0x41: {  	_ =	shalt  }
0x42: {  	_ =	shalt  }
0x43: {  	_ =	shalt  }
0x44: {  	_ =	shalt  }
0x45: {  	_ =	shalt  }
0x46: {  	_ =	shalt  }
0x47: {  	_ =	shalt  }
0x48: {  	_ =	shalt  }
0x49: {  	_ =	shalt  }
0x4a: {  	_ =	shalt  }
0x4b: {  	_ =	shalt  }
0x4c: {  	_ =	shalt  }
0x4d: {  	_ =	shalt  }
0x4e: {  	_ =	shalt  }
0x4f: {  	_ =	shalt  }
0x50: {  	_ =	shalt  }
0x51: {  	_ =	shalt  }
0x52: {  	_ =	shalt  }
0x53: {  	_ =	shalt  }
0x54: {  	_ =	shalt  }
0x55: {  	_ =	shalt  }
0x56: {  	_ =	shalt  }
0x57: {  	_ =	shalt  }
0x58: {  	_ =	shalt  }
0x59: {  	_ =	shalt  }
0x5a: {  	_ =	shalt  }
0x5b: {  	_ =	shalt  }
0x5c: {  	_ =	shalt  }
0x5d: {  	_ =	shalt  }
0x5e: {  	_ =	shalt  }
0x5f: {  	_ =	shalt  }
0x60: {  	_ =	shalt  }
0x61: {  	_ =	shalt  }
0x62: {  	_ =	shalt  }
0x63: {  	_ =	shalt  }
0x64: {  	_ =	shalt  }
0x65: {  	_ =	shalt  }
0x66: {  	_ =	shalt  }
0x67: {  	_ =	shalt  }
0x68: {  	_ =	shalt  }
0x69: {  	_ =	shalt  }
0x6a: {  	_ =	shalt  }
0x6b: {  	_ =	shalt  }
0x6c: {  	_ =	shalt  }
0x6d: {  	_ =	shalt  }
0x6e: {  	_ =	shalt  }
0x6f: {  	_ =	shalt  }
0x70: {  	_ =	shalt  }
0x71: {  	_ =	shalt  }
0x72: {  	_ =	shalt  }
0x73: {  	_ =	shalt  }
0x74: {  	_ =	shalt  }
0x75: {  	_ =	shalt  }
0x76: {  	_ =	shalt  }
0x77: {  	_ =	shalt  }
0x78: {  	_ =	shalt  }
0x79: {  	_ =	shalt  }
0x7a: {  	_ =	shalt  }
0x7b: {  	_ =	shalt  }
0x7c: {  	_ =	shalt  }
0x7d: {  	_ =	shalt  }
0x7e: {  	_ =	shalt  }
0x7f: {  	_ =	shalt  }
0x80: {  	_ =	shalt  }
0x81: {  	_ =	shalt  }
0x82: {  	_ =	shalt  }
0x83: {  	_ =	shalt  }
0x84: {  	_ =	shalt  }
0x85: {  	_ =	shalt  }
0x86: {  	_ =	shalt  }
0x87: {  	_ =	shalt  }
.Lfunc_end0:
.L_simem_size_0:
called_computation_lowered:
.L_overlay_start_0:
0x88: {  	s2 =	sld [smem:$0x3FD9]  }
0x89: {  	s3 =	sld [smem:$0x3FFE];
	_ =	sdelay $0x1  }
0x8a: {  	s1 =	srdreg.scid  }
0x8b: {  	s0 =	sand.u32 $0x1, s1  }
0x8c: {  	s17 =	sshll.u32 s0, $0xA;
	s2 =	sadd.s32 s3, s2  }
0x8d: {  	s2 =	sadd.s32 s2, s17  }
0x8e: {  	[smem:$0x3FC5] =	sst s2  }
0x8f: {  	_ = 	snop  }
0x90: {  	s2 =	sld [smem:$0x3FC9]  }
0x91: {  	s18 =	sld [smem:$0x3FC8];
	(tm) =	ssettm $0x1  }
0x92: {  	s4 =	sld [smem:$0x3FFB];
	_ =	sdelay $0x3  }
0x93: {  	_ =	strace s4  }
0x94: {  	s4 =	sld [smem:$0x3FFC];
	_ =	sdelay $0x3  }
0x95: {  	_ =	strace s4  }
0x96: {  	s4 =	sld [smem:$0x3FFD];
	_ =	sdelay $0x3  }
0x97: {  	_ =	strace s4  }
0x98: {  	_ =	strace $0x8FFFFFFF  }
0x99: {  	s19 =	sld [smem:$0x3FDB];
	_ =	sdelay $0x1  }
0x9a: {  	s5 =	simm.s32 $_scs_section_size  }
0x9b: {  	s6 =	simm.s32 $_size__tile_overlayer_lowered;
	s7 =	simm.s32 $_tile_overlayer_lowered  }
0x9c: {  	s22 =	simm.s32 $0x1BFF;
	s21 =	sshll.u32 s7, $0x1;
	s4 =	sadd.s32 s5, s19  }
0x9d: {  	s8 =	simm.s32 $0x0;
	s20 =	sshll.u32 s6, $0x1;
	s6 =	sadd.s32 s21, s4  }
0x9e: {  	[timem:s8], [sflag:s22] =	dma.local [hbm:s6], s20  }
0x9f: {  	_ =	swait.ge [sflag:s22], s20  }
0xa0: {  	s5 =	ssub.s32 $0x0, s20;
	[sflag:s22] =	ssyncset.done $0x0  }
0xa1: {  	[sflag:s22] =	ssyncadd.s32 s5;
	_ =	sdelay $0x1  }
0xa2: {  	s23 =	simm.s32 $0x1B8B  }
0xa3: {  	_ =	swait.ge [sflag:s23], $0x1  }
0xa4: {  	[sflag:s23] =	ssyncset.done $0x0  }
0xa5: {  	s25 =	simm.s32 $0x1B8E;
	s24 =	sld [smem:$0x3FFE];
	[sflag:s23] =	ssyncadd.s32 $0xFFFFFFFF  }
0xa6: {  	s26 =	simm.s32 $execute0_lowered;
	[smem:$0x3FD2] =	sst s25  }
0xa7: {  	s6 =	sshll.u32 s26, $0x1;
	_ =	strace $0x80000046;
	[dreg:$0x1] =	wrdreg $0xFFFFFFFF  }
0xa8: {  	s28 =	simm.s32 $_size_execute0_lowered;
	s4 =	sadd.s32 s4, s6;
	[dreg:$0x0] =	wrdreg $0x0  }
0xa9: {  	s6 =	sshll.u32 s28, $0x1;
	[dreg:$0x2] =	wrdreg s4  }
0xaa: {  	[dreg:$0x3] =	wrdreg s6  }
0xab: {  	[dreg:$0x4] =	wrdreg $0xC0  }
0xac: {  	_ =	task [dreg:s8], $0x5FFFF  }
0xad: {  	[dreg:$0x1] =	wrdreg $0xFFFFFFFF  }
0xae: {  	[dreg:$0x0] =	wrdreg $0x60  }
0xaf: {  	[dreg:$0x2] =	wrdreg s2  }
0xb0: {  	[dreg:$0x3] =	wrdreg s18  }
0xb1: {  	[dreg:$0x4] =	wrdreg s24  }
0xb2: {  	[dreg:$0x5] =	wrdreg $0x9  }
0xb3: {  	_ =	task.clear_ibuf [dreg:s8], $0x6FFFF;
	_ =	strace $0x90000046  }
0xb4: {  	s29 =	simm.s32 $0x9;
	_ =	strace $0x80000048  }
0xb5: {  	_ =	swait.ge [sflag:s29], $0x1  }
0xb6: {  	[sflag:s29] =	ssyncadd.s32 $0xFFFFFFFF  }
0xb7: {  	_ =	strace $0x90000048  }
0xb8: {  	_ =	sfence  }
0xb9: {  	s30 =	sld [smem:$0x0];
	_ =	sdelay $0x2  }
0xba: {  	s31 =	sshll.u32 s1, $0xD;
	s1 =	sshrl.u32 s1, $0x2  }
0xbb: {  	s3 =	sand.u32 $0x4000, s31;
	s1 =	sadd.s32 s1, s30  }
0xbc: {  	s0 =	sor.u32 s3, s0;
	s1 =	sshll.u32 s1, $0x11  }
0xbd: {  	s0 =	sor.u32 s1, s0  }
0xbe: {  	s0 =	sadd.s32 $0x8F2B, s0  }
0xbf: {  	[sflag:s0] =	ssyncadd.remote.s32 $0x1  }
0xc0: {  	_ =	sfence.sel $0xFFFF  }
0xc1: {  	[dreg:$0x0] =	wrdreg $0xFFFFFFFF;
	(pc) =	sbr.abs _section_cstart, $3  }
0xc2: {  	[dreg:$0x1] =	wrdreg $0xFFFFFFFF  }
0xc3: {  	_ =	task.clear_ibuf [dreg:s8], $0x2FFFF;
	_ =	strace $0x9FFFFFFF  }
0xc4: {  	(tm) =	ssettm $0x7FFFFFFF  }
0xc5: {  	_ =	shalt  }
tec
execute0_lowered:
.L_overlay_start_1:
0x0: {  	(tag) =	ssettag $0x1  }
0x1: {  	v0 =	vimm.s32 $0xEFCDAB89  }
0x2: {  	v1 =	vimm.s32 $0x67452301;
	v2 =	vimm.s32 $0xDCFE98BA;
	v3 =	vimm.s32 $0x54761032  }
0x3: {  	v4 =	vimm.s32 $0xBA98FEDC;
	v5 =	vimm.s32 $0x32107654;
	v6 =	vimm.s32 $0xFEDCBA98  }
0x4: {  	v7 =	vimm.s32 $0x76543210;
	vm0 =	vcmask $0x300;
	vm15 =	vcmask $0x704  }
0x5: {  	v0 =	vunpack.c.l.s4.s8 v0;
	v1 =	vunpack.c.l.s4.s8 v1;
	v2 =	vunpack.c.l.s4.s8 v2  }
0x6: {  	v3 =	vunpack.c.l.s4.s8 v3;
	v4 =	vunpack.c.l.s4.s8 v4;
	v5 =	vunpack.c.l.s4.s8 v5  }
0x7: {  	s3 =	rddreg [dreg:$0x0];
	v6 =	vunpack.c.l.s4.s8 v6;
	v0 =	vunpack.c.0.s8.s32 v0;
	v1 =	vunpack.c.0.s8.s32 v1  }
0x8: {  	s4 =	rddreg [dreg:$0x1];
	s1 =	srdreg.scid;
	v7 =	vunpack.c.l.s4.s8 v7;
	v2 =	vunpack.c.0.s8.s32 v2;
	v3 =	vunpack.c.0.s8.s32 v3  }
0x9: {  	s0 =	stileid.u32;
	s5 =	rddreg [dreg:$0x2];
	s2 =	simm.s32 $0x0;
	v4 =	vunpack.c.0.s8.s32 v4;
	v5 =	vunpack.c.0.s8.s32 v5;
	v1 =	vcombine.low v1, v0  }
0xa: {  	s6 =	sand.u32 $0x1, s1;
	s7 =	sshll.u32 s0, $0x1;
	s1 =	rddreg [dreg:$0x3];
	v2 =	vcombine.low v3, v2;
	v3 =	vunpack.c.0.s8.s32 v6;
	v0 =	vimm.f32 $0.0e+00  }
0xb: {  	s10 =	simm.s32 $0x0;
	[smem:$0x7FF] =	sst s2;
	s7 =	sor.u32 s6, s7;
	v4 =	vcombine.low v5, v4;
	v5 =	vunpack.c.0.s8.s32 v7;
	v12 =	vsel vm0, $0x3F800000, v0  }
0xc: {  	_ =	strace $0x80000047;
	s6 =	ssub.s32 $0x2, s6;
	s8 =	sshll.u32 s7, $0x8;
	v14 =	vsel vm15, $0x3F800000, v0;
	v1 =	vand.u32 $0xF, v1;
	v6 =	vand.u32 $0xF, v3  }
0xd: {  	s31 =	sshrl.u32 s6, $0x1;
	s9 =	sshll.u32 s7, $0xC;
	s7 =	sshll.u32 s7, $0x5;
	v3 =	vand.u32 $0xF, v4;
	v4 =	vcombine.low v6, v5;
	v5 =	vlaneseq.u32  }
0xe: {  	s5 =	sadd.s32 s8, s5;
	s6 =	ssub.s32 s6, s31;
	s3 =	sadd.s32 s3, s9;
	v2 =	vand.u32 $0xF, v2;
	v6 =	vor.u32 $0x10, v5;
	v7 =	vor.u32 $0x20, v5  }
0xf: {  	s4 =	sadd.s32 s4, s7;
	s7 =	simm.s32 $0x1;
	s8 =	simm.s32 $0x8000;
	v8 =	vor.u32 $0x30, v5;
	v9 =	vor.u32 $0x40, v5;
	v10 =	vor.u32 $0x50, v5  }
0x10: {  	s9 =	simm.s32 $0x8100;
	s5 =	sadd.s32 $0xC00, s5;
	s6 =	smax.u32 s6, $0x1;
	v11 =	vor.u32 $0x60, v5;
	v13 =	vor.u32 $0x70, v5;
	v15 =	vor.u32 $0x400, v5  }
.LBB2_1:
0x11: {  	[tilespmem:s2], [sflag:$0x1] =	stream.linear.gather [hbm4b:s3+s2], $0x8000, $0x38;
	[tilespmem:$0x8900] =	vst v63  }
0x12: {  	_ =	swait.ge [sflag:s7], $0x8000  }
0x13: {  	[sflag:s7] =	ssyncset.done $0x0  }
0x14: {  	[sflag:s7] =	ssyncadd.s32 $0xFFFF8000  }
0x15: {  	[tilespmem:s8], [sflag:$0x1] =	stream.linear.gather [hbm4b:s4+s2], $0x100, $0x38;
	[tilespmem:$0x8900] =	vst v63  }
0x16: {  	_ =	swait.ge [sflag:s7], $0x100  }
0x17: {  	[sflag:s7] =	ssyncset.done $0x0  }
0x18: {  	[sflag:s7] =	ssyncadd.s32 $0xFFFFFF00  }
0x19: {  	[tilespmem:$0x8100] =	vst v0  }
0x1a: {  	[tilespmem:$0x8110] =	vst v0  }
0x1b: {  	[tilespmem:$0x8120] =	vst v0  }
0x1c: {  	[tilespmem:$0x8130] =	vst v0  }
0x1d: {  	[tilespmem:$0x8140] =	vst v0  }
0x1e: {  	[tilespmem:$0x8150] =	vst v0  }
0x1f: {  	[tilespmem:$0x8160] =	vst v0  }
0x20: {  	[tilespmem:$0x8170] =	vst v0  }
0x21: {  	[tilespmem:$0x8500] =	vst v0  }
0x22: {  	[tilespmem:$0x8510] =	vst v0  }
0x23: {  	[tilespmem:$0x8180] =	vst v0  }
0x24: {  	[tilespmem:$0x8190] =	vst v0  }
0x25: {  	[tilespmem:$0x81A0] =	vst v0  }
0x26: {  	[tilespmem:$0x81B0] =	vst v0  }
0x27: {  	[tilespmem:$0x81C0] =	vst v0  }
0x28: {  	[tilespmem:$0x81D0] =	vst v0  }
0x29: {  	[tilespmem:$0x81E0] =	vst v0  }
0x2a: {  	[tilespmem:$0x81F0] =	vst v0  }
0x2b: {  	[tilespmem:$0x8580] =	vst v0  }
0x2c: {  	[tilespmem:$0x8590] =	vst v0  }
0x2d: {  	[tilespmem:$0x8200] =	vst v0  }
0x2e: {  	[tilespmem:$0x8210] =	vst v0  }
0x2f: {  	[tilespmem:$0x8220] =	vst v0  }
0x30: {  	[tilespmem:$0x8230] =	vst v0  }
0x31: {  	[tilespmem:$0x8240] =	vst v0  }
0x32: {  	[tilespmem:$0x8250] =	vst v0  }
0x33: {  	[tilespmem:$0x8260] =	vst v0  }
0x34: {  	[tilespmem:$0x8270] =	vst v0  }
0x35: {  	[tilespmem:$0x8600] =	vst v0  }
0x36: {  	[tilespmem:$0x8610] =	vst v0  }
0x37: {  	[tilespmem:$0x8280] =	vst v0  }
0x38: {  	[tilespmem:$0x8290] =	vst v0  }
0x39: {  	[tilespmem:$0x82A0] =	vst v0  }
0x3a: {  	[tilespmem:$0x82B0] =	vst v0  }
0x3b: {  	[tilespmem:$0x82C0] =	vst v0  }
0x3c: {  	[tilespmem:$0x82D0] =	vst v0  }
0x3d: {  	[tilespmem:$0x82E0] =	vst v0  }
0x3e: {  	[tilespmem:$0x82F0] =	vst v0  }
0x3f: {  	[tilespmem:$0x8680] =	vst v0  }
0x40: {  	[tilespmem:$0x8690] =	vst v0  }
0x41: {  	[tilespmem:$0x8300] =	vst v0  }
0x42: {  	[tilespmem:$0x8310] =	vst v0  }
0x43: {  	[tilespmem:$0x8320] =	vst v0  }
0x44: {  	[tilespmem:$0x8330] =	vst v0  }
0x45: {  	[tilespmem:$0x8340] =	vst v0  }
0x46: {  	[tilespmem:$0x8350] =	vst v0  }
0x47: {  	[tilespmem:$0x8360] =	vst v0  }
0x48: {  	[tilespmem:$0x8370] =	vst v0  }
0x49: {  	[tilespmem:$0x8700] =	vst v0  }
0x4a: {  	s11 =	simm.s32 $0x200;
	s12 =	simm.s32 $0x0;
	[tilespmem:$0x8710] =	vst v0  }
.LBB2_2:
0x4b: {  	v36 =	vld [tilespmem:s11+$0xFFFFFE00]  }
0x4c: {  	v37 =	vld [tilespmem:s11+$0xFFFFFE10]  }
0x4d: {  	v38 =	vld [tilespmem:s11+$0xFFFFFE20]  }
0x4e: {  	v39 =	vld [tilespmem:s11+$0xFFFFFE30]  }
0x4f: {  	v32 =	vld [tilespmem:s11+$0xFFFFFE40]  }
0x50: {  	v35 =	vld [tilespmem:s11+$0xFFFFFE50]  }
0x51: {  	v29 =	vld [tilespmem:s11+$0xFFFFFE60]  }
0x52: {  	v28 =	vld [tilespmem:s11+$0xFFFFFE70];
	_ =	sdelay $0x1  }
0x53: {  	v16 =	vmul.f32 v36, v36;
	v17 =	vmul.f32 v37, v37  }
0x54: {  	v18 =	vmul.f32 v38, v38;
	v19 =	vmul.f32 v39, v39  }
0x55: {  	v20 =	vmul.f32 v32, v32;
	v21 =	vmul.f32 v35, v35  }
0x56: {  	v22 =	vmul.f32 v29, v29;
	v23 =	vmul.f32 v28, v28  }
0x57: {  	v16 =	vadd.f32 v17, v16;
	v17 =	vadd.f32 v19, v18  }
0x58: {  	v40 =	vadd.f32 v21, v20;
	v41 =	vadd.f32 v23, v22;
	_ =	sdelay $0x1  }
0x59: {  	v16 =	vadd.f32 v17, v16;
	v17 =	vadd.f32 v41, v40;
	_ =	sdelay $0x1  }
0x5a: {  	v16 =	vadd.f32 v17, v16;
	_ =	sdelay $0x1  }
0x5b: {  	v17 =	vperm.xlane v16, v1;
	_ =	sdelay $0x1  }
0x5c: {  	v16 =	vadd.f32 v16, v17  }
0x5d: {  	v31 =	vld [tilespmem:s11+$0xFFFFFE80]  }
0x5e: {  	v33 =	vld [tilespmem:s11+$0xFFFFFEB0];
	v17 =	vperm.xlane v16, v2  }
0x5f: {  	v34 =	vld [tilespmem:s11+$0xFFFFFEC0]  }
0x60: {  	v25 =	vld [tilespmem:s11+$0xFFFFFED0];
	v17 =	vadd.f32 v16, v17  }
0x61: {  	v22 =	vld [tilespmem:s11+$0xFFFFFE90]  }
0x62: {  	v23 =	vld [tilespmem:s11+$0xFFFFFEE0];
	v42 =	vperm.xlane v17, v3  }
0x63: {  	v16 =	vld [tilespmem:s11+$0xFFFFFEA0]  }
0x64: {  	v18 =	vadd.f32 v17, v42;
	v17 =	vld [tilespmem:s11+$0xFFFFFEF0]  }
0x65: {  	v44 =	vmul.f32 v31, v31  }
0x66: {  	v26 =	vmul.f32 v33, v33;
	v27 =	vmul.f32 v34, v34  }
0x67: {  	v30 =	vmul.f32 v25, v25;
	v43 =	vperm.xlane v18, v4  }
0x68: {  	v41 =	vmov s12;
	v45 =	vmul.f32 v22, v22;
	v46 =	vmul.f32 v23, v23  }
0x69: {  	v24 =	vmul.f32 v16, v16;
	v40 =	vadd.f32 v18, v43;
	v47 =	vmul.f32 v17, v17  }
0x6a: {  	v50 =	vadd.f32 v30, v27;
	v51 =	vand.u32 $0xFFFFFFF8, v41;
	v20 =	vadd.f32 v45, v44  }
0x6b: {  	v48 =	vadd.f32 v26, v24;
	v49 =	vmax.f32 v40, $1.000000020e-24;
	v18 =	vadd.f32 v47, v46  }
0x6c: {  	v19 =	vbroadcast v51, $0x0;
	v52 =	vshrl.u32 v49, $0x1;
	v24 =	vmul.f32 $5.000000000e-01, v49  }
0x6d: {  	v20 =	vadd.f32 v48, v20;
	v53 =	vsub.s32 $0x5F3759DF, v52;
	v18 =	vadd.f32 v18, v50  }
0x6e: {  	v54 =	vmul.f32 v53, v24  }
0x6f: {  	v18 =	vadd.f32 v18, v20  }
0x70: {  	v55 =	vmul.f32 v53, v54  }
0x71: {  	v56 =	vperm.xlane v18, v1  }
0x72: {  	v20 =	vsub.f32 $1.500000000e+00, v55  }
0x73: {  	v57 =	vld.idx.msk [tilespmem:v19+s8+$0x0], $0xffff;
	v18 =	vadd.f32 v18, v56  }
0x74: {  	v30 =	vld [tilespmem:s11+$0xFFFFFF00];
	v42 =	vmul.f32 v53, v20  }
0x75: {  	v27 =	vld [tilespmem:s11+$0xFFFFFF20];
	v58 =	vperm.xlane v18, v2  }
0x76: {  	v26 =	vld [tilespmem:s11+$0xFFFFFF10];
	v20 =	vmul.f32 v42, v24  }
0x77: {  	v21 =	vld [tilespmem:s11+$0xFFFFFF40];
	v19 =	vadd.f32 v18, v58  }
0x78: {  	v45 =	vshll.u32 v57, $0x8;
	v41 =	vshll.u32 v57, $0x7;
	v24 =	vld [tilespmem:s11+$0xFFFFFF30];
	v20 =	vmul.f32 v20, v42  }
0x79: {  	v45 =	vand.u32 $0xFFFFF800, v45;
	v41 =	vand.u32 $0x380, v41;
	v18 =	vld [tilespmem:s11+$0xFFFFFF50];
	v43 =	vperm.xlane v19, v3  }
0x7a: {  	v41 =	vor.u32 v41, v45;
	v44 =	vsub.f32 $1.500000000e+00, v20;
	v20 =	vld [tilespmem:s11+$0xFFFFFF60]  }
0x7b: {  	v46 =	vmul.f32 v30, v30;
	v47 =	vmul.f32 v26, v26;
	v43 =	vadd.f32 v19, v43;
	v19 =	vld [tilespmem:s11+$0xFFFFFF70]  }
0x7c: {  	v63 =	vor.u32 v5, v41;
	v57 =	vor.u32 v6, v41  }
0x7d: {  	v48 =	vmul.f32 v27, v27;
	v50 =	vmul.f32 v21, v21;
	v46 =	vadd.f32 v47, v46  }
0x7e: {  	v54 =	vor.u32 v10, v41;
	v49 =	vmul.f32 v24, v24;
	v42 =	vmul.f32 v44, v42  }
0x7f: {  	v58 =	vor.u32 v7, v41;
	v51 =	vmul.f32 v18, v18;
	v59 =	vperm.xlane v43, v4  }
0x80: {  	v61 =	vadd.f32 v49, v48;
	v60 =	vmul.f32 v20, v20;
	v52 =	vmul.f32 v19, v19  }
0x81: {  	s13 =	sadd.s32 $0x1, s12;
	v49 =	vor.u32 v9, v41;
	v36 =	vmul.f32 v42, v36;
	v44 =	vadd.f32 v43, v59  }
0x82: {  	v62 =	vadd.f32 v51, v50;
	v59 =	vmov s13;
	v43 =	vadd.f32 v52, v60  }
0x83: {  	v46 =	vadd.f32 v61, v46;
	v50 =	vand.u32 $0xFFFFFFF9, v59;
	v55 =	vmax.f32 v44, $1.000000020e-24  }
0x84: {  	v56 =	vshrl.u32 v55, $0x1;
	v47 =	vmul.f32 $5.000000000e-01, v55;
	v43 =	vadd.f32 v43, v62  }
0x85: {  	v61 =	vor.u32 v8, v41;
	v50 =	vbroadcast v50, $0x0;
	v45 =	vsub.s32 $0x5F3759DF, v56  }
0x86: {  	v37 =	vmul.f32 v42, v37;
	v60 =	vmul.f32 v45, v47;
	v43 =	vadd.f32 v43, v46  }
0x87: {  	v48 =	vmul.f32 v42, v39;
	[tilespmem:v63+s9+$0x0] =	vst.idx.add.f32.msk $0xffff, v36;
	v62 =	vmul.f32 v42, v38  }
0x88: {  	[tilespmem:v57+s9+$0x0] =	vst.idx.add.f32.msk $0xffff, v37;
	v51 =	vmul.f32 v45, v60;
	v53 =	vperm.xlane v43, v1  }
0x89: {  	v56 =	vor.u32 v11, v41;
	[tilespmem:v58+s9+$0x0] =	vst.idx.add.f32.msk $0xffff, v62  }
0x8a: {  	v32 =	vmul.f32 v42, v32;
	[tilespmem:v61+s9+$0x0] =	vst.idx.add.f32.msk $0xffff, v48;
	v63 =	vadd.f32 v43, v53;
	v53 =	vsub.f32 $1.500000000e+00, v51  }
0x8b: {  	v35 =	vmul.f32 v42, v35;
	v57 =	vld.idx.msk [tilespmem:v50+s8+$0x0], $0xffff  }
0x8c: {  	v29 =	vmul.f32 v42, v29;
	[tilespmem:v49+s9+$0x0] =	vst.idx.add.f32.msk $0xffff, v32;
	v43 =	vmul.f32 v45, v53  }
0x8d: {  	v40 =	vmul.f32 v42, v40;
	[tilespmem:v54+s9+$0x0] =	vst.idx.add.f32.msk $0xffff, v35;
	v55 =	vperm.xlane v63, v2  }
0x8e: {  	[tilespmem:v56+s9+$0x0] =	vst.idx.add.f32.msk $0xffff, v29;
	v58 =	vmul.f32 v43, v47  }
0x8f: {  	v60 =	vmul.f32 v40, v42;
	v29 =	vld [tilespmem:s11+$0xFFFFFFB0];
	v38 =	vadd.f32 v63, v55  }
0x90: {  	v37 =	vmul.f32 v42, v28;
	v63 =	vor.u32 v13, v41;
	v61 =	vmul.f32 v58, v43  }
0x91: {  	v28 =	vld [tilespmem:s11+$0xFFFFFFA0];
	v52 =	vmul.f32 v12, v60;
	v54 =	vshll.u32 v57, $0x8;
	v59 =	vperm.xlane v38, v3  }
0x92: {  	v40 =	vld [tilespmem:s11+$0xFFFFFF80];
	v35 =	vand.u32 $0xFFFFF800, v54;
	v55 =	vshll.u32 v57, $0x7;
	v53 =	vsub.f32 $1.500000000e+00, v61  }
0x93: {  	v42 =	vld [tilespmem:s11+$0xFFFFFF90];
	v57 =	vadd.f32 v14, v52;
	v36 =	vand.u32 $0x380, v55;
	v62 =	vadd.f32 v38, v59  }
0x94: {  	s25 =	sadd.s32 $0x2, s12;
	v32 =	vld [tilespmem:s11+$0xFFFFFFC0];
	v54 =	vmul.f32 v29, v29;
	v58 =	vor.u32 v15, v41;
	v45 =	vmul.f32 v53, v43  }
0x95: {  	v35 =	vor.u32 v36, v35;
	v61 =	vmov s25;
	[tilespmem:v63+s9+$0x0] =	vst.idx.add.f32.msk $0xffff, v37;
	v56 =	vperm.xlane v62, v4  }
0x96: {  	v59 =	vor.u32 v5, v35;
	v49 =	vand.u32 $0xFFFFFFFA, v61;
	v47 =	vmul.f32 v45, v22;
	v22 =	vld [tilespmem:s11+$0xFFFFFFD0]  }
0x97: {  	v63 =	vmul.f32 v40, v40;
	v43 =	vadd.f32 v62, v56;
	v39 =	vmul.f32 v45, v31;
	v31 =	vld [tilespmem:s11+$0xFFFFFFE0]  }
0x98: {  	v48 =	vor.u32 v6, v35;
	v37 =	vbroadcast v49, $0x0;
	v52 =	vmul.f32 v45, v16;
	v16 =	vld [tilespmem:s11+$0xFFFFFFF0]  }
0x99: {  	[tilespmem:v58+s9+$0x0] =	vst.idx.add.f32.msk $0xffff, v57;
	v57 =	vmul.f32 v42, v42;
	v58 =	vmul.f32 v28, v28;
	v60 =	vmax.f32 v43, $1.000000020e-24  }
0x9a: {  	v33 =	vmul.f32 v45, v33;
	v62 =	vshrl.u32 v60, $0x1;
	v51 =	vmul.f32 $5.000000000e-01, v60  }
0x9b: {  	v34 =	vmul.f32 v45, v34;
	[tilespmem:v59+s9+$0x0] =	vst.idx.add.f32.msk $0xffff, v39;
	v59 =	vmul.f32 v32, v32;
	v50 =	vsub.s32 $0x5F3759DF, v62  }
0x9c: {  	v49 =	vor.u32 v7, v35;
	v38 =	vmul.f32 v50, v51;
	v60 =	vmul.f32 v22, v22  }
0x9d: {  	v56 =	vor.u32 v8, v35;
	v61 =	vmul.f32 v31, v31;
	v62 =	vmul.f32 v16, v16  }
0x9e: {  	v36 =	vadd.f32 v57, v63;
	v63 =	vadd.f32 v54, v58;
	v58 =	vor.u32 v9, v35  }
0x9f: {  	v37 =	vld.idx.msk [tilespmem:v37+s8+$0x0], $0xffff;
	v38 =	vmul.f32 v50, v38;
	v39 =	vadd.f32 v60, v59;
	v57 =	vadd.f32 v62, v61  }
0xa0: {  	v25 =	vmul.f32 v45, v25;
	[tilespmem:v48+s9+$0x0] =	vst.idx.add.f32.msk $0xffff, v47;
	v36 =	vadd.f32 v63, v36  }
0xa1: {  	v44 =	vmul.f32 v45, v44;
	[tilespmem:v49+s9+$0x0] =	vst.idx.add.f32.msk $0xffff, v52;
	v38 =	vsub.f32 $1.500000000e+00, v38;
	v39 =	vadd.f32 v57, v39  }
0xa2: {  	v23 =	vmul.f32 v45, v23;
	[tilespmem:v56+s9+$0x0] =	vst.idx.add.f32.msk $0xffff, v33;
	v59 =	vor.u32 v10, v35  }
0xa3: {  	v41 =	vld [tilespmem:s11+$0x0];
	v60 =	vor.u32 v11, v35;
	v38 =	vmul.f32 v50, v38;
	v36 =	vadd.f32 v39, v36  }
0xa4: {  	v44 =	vmul.f32 v44, v45;
	[tilespmem:v58+s9+$0x0] =	vst.idx.add.f32.msk $0xffff, v34;
	v62 =	vor.u32 v13, v35;
	v47 =	vshll.u32 v37, $0x8  }
0xa5: {  	v37 =	vshll.u32 v37, $0x7;
	v39 =	vld [tilespmem:s11+$0x10];
	v61 =	vmul.f32 v38, v51;
	v63 =	vperm.xlane v36, v1  }
0xa6: {  	v52 =	vmul.f32 v12, v44;
	v50 =	vand.u32 $0x380, v37;
	v37 =	vld [tilespmem:s11+$0x50];
	v51 =	vor.u32 v15, v35  }
0xa7: {  	[tilespmem:v59+s9+$0x0] =	vst.idx.add.f32.msk $0xffff, v25;
	v33 =	vmul.f32 v61, v38;
	v36 =	vadd.f32 v36, v63  }
0xa8: {  	v17 =	vmul.f32 v45, v17;
	v34 =	vadd.f32 v14, v52;
	v49 =	vand.u32 $0xFFFFF800, v47;
	[tilespmem:v60+s9+$0x0] =	vst.idx.add.f32.msk $0xffff, v23  }
0xa9: {  	v25 =	vor.u32 v50, v49;
	v35 =	vld [tilespmem:s11+$0x60];
	v33 =	vsub.f32 $1.500000000e+00, v33;
	v54 =	vperm.xlane v36, v2  }
0xaa: {  	v53 =	vor.u32 v5, v25;
	v55 =	vor.u32 v6, v25;
	[tilespmem:v62+s9+$0x0] =	vst.idx.add.f32.msk $0xffff, v17  }
0xab: {  	[tilespmem:v51+s9+$0x0] =	vst.idx.add.f32.msk $0xffff, v34;
	v44 =	vmul.f32 v33, v38;
	v36 =	vadd.f32 v36, v54  }
0xac: {  	v52 =	vmul.f32 v41, v41;
	v56 =	vor.u32 v7, v25;
	v34 =	vld [tilespmem:s11+$0x30]  }
0xad: {  	v33 =	vld [tilespmem:s11+$0x20];
	v17 =	vmul.f32 v44, v30;
	v59 =	vperm.xlane v36, v3  }
0xae: {  	v57 =	vor.u32 v8, v25;
	v49 =	vor.u32 v11, v25;
	v38 =	vld [tilespmem:s11+$0x70];
	v58 =	vmul.f32 v44, v26  }
0xaf: {  	[tilespmem:v53+s9+$0x0] =	vst.idx.add.f32.msk $0xffff, v17;
	v17 =	vmul.f32 v44, v27;
	v61 =	vadd.f32 v36, v59  }
0xb0: {  	s26 =	sadd.s32 $0x3, s12;
	v62 =	vor.u32 v9, v25;
	v63 =	vor.u32 v10, v25;
	[tilespmem:v55+s9+$0x0] =	vst.idx.add.f32.msk $0xffff, v58  }
0xb1: {  	v47 =	vmov s26;
	v60 =	vmul.f32 v44, v24;
	[tilespmem:v56+s9+$0x0] =	vst.idx.add.f32.msk $0xffff, v17;
	v17 =	vperm.xlane v61, v4  }
0xb2: {  	v21 =	vmul.f32 v44, v21;
	v18 =	vmul.f32 v44, v18;
	v36 =	vld [tilespmem:s11+$0x40];
	v27 =	vand.u32 $0xFFFFFFFB, v47  }
0xb3: {  	v53 =	vmul.f32 v39, v39;
	v27 =	vbroadcast v27, $0x0;
	v17 =	vadd.f32 v61, v17  }
0xb4: {  	v54 =	vor.u32 v13, v25;
	v59 =	vmul.f32 v37, v37;
	v55 =	vmul.f32 v33, v33  }
0xb5: {  	v56 =	vmul.f32 v34, v34;
	[tilespmem:v57+s9+$0x0] =	vst.idx.add.f32.msk $0xffff, v60;
	v60 =	vmul.f32 v35, v35;
	v46 =	vmax.f32 v17, $1.000000020e-24  }
0xb6: {  	v61 =	vmul.f32 v38, v38;
	v48 =	vshrl.u32 v46, $0x1;
	v26 =	vmul.f32 $5.000000000e-01, v46  }
0xb7: {  	[tilespmem:v62+s9+$0x0] =	vst.idx.add.f32.msk $0xffff, v21;
	v62 =	vadd.f32 v56, v55;
	v58 =	vmul.f32 v36, v36;
	v30 =	vsub.s32 $0x5F3759DF, v48  }
0xb8: {  	[tilespmem:v63+s9+$0x0] =	vst.idx.add.f32.msk $0xffff, v18;
	v18 =	vadd.f32 v53, v52;
	v50 =	vmul.f32 v30, v26  }
0xb9: {  	v27 =	vld.idx.msk [tilespmem:v27+s8+$0x0], $0xffff;
	v21 =	vadd.f32 v59, v58;
	v46 =	vadd.f32 v61, v60  }
0xba: {  	v20 =	vmul.f32 v44, v20;
	v51 =	vmul.f32 v30, v50  }
0xbb: {  	v19 =	vmul.f32 v44, v19;
	v24 =	vld [tilespmem:s11+$0x90];
	v18 =	vadd.f32 v62, v18;
	v21 =	vadd.f32 v46, v21  }
0xbc: {  	v63 =	vmul.f32 v44, v43;
	[tilespmem:v49+s9+$0x0] =	vst.idx.add.f32.msk $0xffff, v20;
	v57 =	vsub.f32 $1.500000000e+00, v51  }
0xbd: {  	[tilespmem:v54+s9+$0x0] =	vst.idx.add.f32.msk $0xffff, v19;
	v18 =	vadd.f32 v21, v18;
	v50 =	vor.u32 v15, v25  }
0xbe: {  	v21 =	vld [tilespmem:s11+$0xD0];
	v48 =	vshll.u32 v27, $0x8;
	v27 =	vshll.u32 v27, $0x7;
	v20 =	vmul.f32 v30, v57  }
0xbf: {  	v25 =	vld [tilespmem:s11+$0xE0];
	v49 =	vand.u32 $0xFFFFF800, v48;
	v27 =	vand.u32 $0x380, v27;
	v53 =	vperm.xlane v18, v1  }
0xc0: {  	v43 =	vor.u32 v27, v49;
	v27 =	vld [tilespmem:s11+$0xB0];
	v30 =	vmul.f32 v63, v44;
	v47 =	vmul.f32 v20, v26  }
0xc1: {  	v56 =	vmul.f32 v24, v24;
	v26 =	vld [tilespmem:s11+$0xA0]  }
0xc2: {  	v18 =	vadd.f32 v18, v53;
	v51 =	vmul.f32 v12, v30;
	v30 =	vld [tilespmem:s11+$0xC0];
	v19 =	vmul.f32 v47, v20  }
0xc3: {  	v52 =	vor.u32 v5, v43;
	v45 =	vor.u32 v6, v43;
	v49 =	vor.u32 v7, v43  }
0xc4: {  	v63 =	vor.u32 v8, v43;
	v55 =	vperm.xlane v18, v2;
	v19 =	vsub.f32 $1.500000000e+00, v19  }
0xc5: {  	v23 =	vld [tilespmem:s11+$0x80];
	v60 =	vmul.f32 v21, v21;
	v54 =	vadd.f32 v14, v51;
	v58 =	vmul.f32 v27, v27  }
0xc6: {  	v18 =	vadd.f32 v18, v55;
	v57 =	vmul.f32 v26, v26;
	v47 =	vmul.f32 v19, v20;
	v19 =	vld [tilespmem:s11+$0xF0]  }
0xc7: {  	v61 =	vmul.f32 v25, v25;
	[tilespmem:v50+s9+$0x0] =	vst.idx.add.f32.msk $0xffff, v54;
	v59 =	vmul.f32 v30, v30  }
0xc8: {  	v54 =	vadd.f32 v58, v57;
	v58 =	vperm.xlane v18, v3;
	v40 =	vmul.f32 v47, v40  }
0xc9: {  	v55 =	vor.u32 v9, v43;
	v20 =	vmul.f32 v47, v42;
	v57 =	vmul.f32 v47, v28;
	v28 =	vld [tilespmem:s11+$0x100]  }
0xca: {  	v17 =	vmul.f32 v47, v17;
	[tilespmem:v52+s9+$0x0] =	vst.idx.add.f32.msk $0xffff, v40;
	v40 =	vmul.f32 v23, v23  }
0xcb: {  	v29 =	vmul.f32 v47, v29;
	v62 =	vmul.f32 v19, v19;
	[tilespmem:v45+s9+$0x0] =	vst.idx.add.f32.msk $0xffff, v20  }
0xcc: {  	v18 =	vadd.f32 v18, v58;
	v58 =	vmul.f32 v17, v47;
	v20 =	vld [tilespmem:s11+$0x120];
	v40 =	vadd.f32 v56, v40  }
0xcd: {  	v56 =	vadd.f32 v60, v59;
	[tilespmem:v49+s9+$0x0] =	vst.idx.add.f32.msk $0xffff, v57;
	v42 =	vadd.f32 v62, v61  }
0xce: {  	v59 =	vmul.f32 v47, v32;
	v32 =	vld [tilespmem:s11+$0x150];
	v61 =	vperm.xlane v18, v4  }
0xcf: {  	s28 =	sadd.s32 $0x4, s12;
	[tilespmem:v63+s9+$0x0] =	vst.idx.add.f32.msk $0xffff, v29;
	v40 =	vadd.f32 v54, v40;
	v42 =	vadd.f32 v42, v56  }
0xd0: {  	v17 =	vmov s28;
	[tilespmem:v55+s9+$0x0] =	vst.idx.add.f32.msk $0xffff, v59;
	v46 =	vadd.f32 v18, v61  }
0xd1: {  	v49 =	vmul.f32 v12, v58;
	v59 =	vand.u32 $0xFFFFFFFC, v17;
	v17 =	vld [tilespmem:s11+$0x160];
	v60 =	vadd.f32 v42, v40  }
0xd2: {  	v62 =	vor.u32 v10, v43;
	v18 =	vld [tilespmem:s11+$0x170];
	v42 =	vmul.f32 v47, v22;
	v55 =	vmax.f32 v46, $1.000000020e-24  }
0xd3: {  	v22 =	vld [tilespmem:s11+$0x130];
	v56 =	vshrl.u32 v55, $0x1;
	v45 =	vmul.f32 $5.000000000e-01, v55;
	v40 =	vperm.xlane v60, v1  }
0xd4: {  	v29 =	vld [tilespmem:s11+$0x110];
	v51 =	vbroadcast v59, $0x0;
	v58 =	vmul.f32 v20, v20;
	v50 =	vsub.s32 $0x5F3759DF, v56  }
0xd5: {  	v63 =	vadd.f32 v60, v40;
	v40 =	vmul.f32 v47, v31;
	v31 =	vld [tilespmem:s11+$0x140];
	v60 =	vmul.f32 v50, v45  }
0xd6: {  	v56 =	vmul.f32 v28, v28;
	v54 =	vmul.f32 v17, v17  }
0xd7: {  	v53 =	vor.u32 v11, v43;
	v57 =	vperm.xlane v63, v2;
	v52 =	vmul.f32 v50, v60  }
0xd8: {  	v55 =	vor.u32 v13, v43;
	v59 =	vmul.f32 v22, v22;
	v60 =	vmul.f32 v18, v18  }
0xd9: {  	[tilespmem:v62+s9+$0x0] =	vst.idx.add.f32.msk $0xffff, v42;
	v48 =	vadd.f32 v63, v57;
	v57 =	vmul.f32 v29, v29;
	v42 =	vsub.f32 $1.500000000e+00, v52  }
0xda: {  	v52 =	vmul.f32 v32, v32;
	v63 =	vadd.f32 v59, v58;
	v44 =	vmul.f32 v31, v31  }
0xdb: {  	v60 =	vadd.f32 v60, v54;
	v61 =	vperm.xlane v48, v3;
	v42 =	vmul.f32 v50, v42  }
0xdc: {  	v16 =	vmul.f32 v47, v16;
	v62 =	vadd.f32 v57, v56;
	v44 =	vadd.f32 v52, v44  }
0xdd: {  	[tilespmem:v53+s9+$0x0] =	vst.idx.add.f32.msk $0xffff, v40;
	v48 =	vadd.f32 v48, v61;
	v45 =	vmul.f32 v42, v45  }
0xde: {  	v43 =	vor.u32 v15, v43;
	v40 =	vld [tilespmem:s11+$0x180];
	v62 =	vadd.f32 v63, v62;
	v44 =	vadd.f32 v60, v44  }
0xdf: {  	[tilespmem:v55+s9+$0x0] =	vst.idx.add.f32.msk $0xffff, v16;
	v61 =	vperm.xlane v48, v4;
	v16 =	vmul.f32 v45, v42  }
0xe0: {  	v44 =	vadd.f32 v44, v62  }
0xe1: {  	v63 =	vld.idx.msk [tilespmem:v51+s8+$0x0], $0xffff;
	v47 =	vadd.f32 v48, v61;
	v16 =	vsub.f32 $1.500000000e+00, v16  }
0xe2: {  	v49 =	vadd.f32 v14, v49;
	v58 =	vperm.xlane v44, v1  }
0xe3: {  	v56 =	vmax.f32 v47, $1.000000020e-24;
	v50 =	vmul.f32 v16, v42  }
0xe4: {  	[tilespmem:v43+s9+$0x0] =	vst.idx.add.f32.msk $0xffff, v49;
	v48 =	vmul.f32 $5.000000000e-01, v56;
	v49 =	vadd.f32 v44, v58;
	v58 =	vmul.f32 v40, v40  }
0xe5: {  	v57 =	vshrl.u32 v56, $0x1;
	v52 =	vmul.f32 v50, v41;
	v56 =	vmul.f32 v50, v39  }
0xe6: {  	v43 =	vld [tilespmem:s11+$0x190];
	v60 =	vshll.u32 v63, $0x8;
	v33 =	vmul.f32 v50, v33;
	v34 =	vmul.f32 v50, v34  }
0xe7: {  	v45 =	vld [tilespmem:s11+$0x1E0];
	v51 =	vsub.s32 $0x5F3759DF, v57;
	v36 =	vmul.f32 v50, v36;
	v37 =	vmul.f32 v50, v37  }
0xe8: {  	v63 =	vshll.u32 v63, $0x7;
	v16 =	vld [tilespmem:s11+$0x1B0];
	v46 =	vmul.f32 v50, v46;
	v59 =	vmul.f32 v51, v48  }
0xe9: {  	s29 =	sadd.s32 $0x5, s12;
	v53 =	vand.u32 $0xFFFFF800, v60;
	v41 =	vld [tilespmem:s11+$0x1C0];
	v35 =	vmul.f32 v50, v35;
	v62 =	vperm.xlane v49, v2  }
0xea: {  	v44 =	vld [tilespmem:s11+$0x1A0];
	v46 =	vmul.f32 v46, v50;
	v61 =	vmul.f32 v51, v59;
	v59 =	vmov s29  }
0xeb: {  	v42 =	vld [tilespmem:s11+$0x1D0];
	v38 =	vmul.f32 v50, v38;
	v49 =	vadd.f32 v49, v62;
	v60 =	vand.u32 $0xFFFFFFFD, v59  }
0xec: {  	v39 =	vld [tilespmem:s11+$0x1F0];
	v59 =	vmul.f32 v43, v43;
	v46 =	vmul.f32 v12, v46;
	v54 =	vsub.f32 $1.500000000e+00, v61  }
0xed: {  	v61 =	vand.u32 $0x380, v63;
	v57 =	vbroadcast v60, $0x0;
	v62 =	vperm.xlane v49, v3  }
0xee: {  	v60 =	vmul.f32 v16, v16;
	v53 =	vor.u32 v61, v53;
	v61 =	vmul.f32 v41, v41  }
0xef: {  	v58 =	vadd.f32 v59, v58;
	v51 =	vmul.f32 v51, v54;
	v54 =	vmul.f32 v44, v44  }
0xf0: {  	v59 =	vmul.f32 v45, v45;
	v49 =	vadd.f32 v49, v62;
	v62 =	vmul.f32 v42, v42  }
0xf1: {  	v55 =	vor.u32 v5, v53;
	v54 =	vadd.f32 v60, v54;
	v60 =	vmul.f32 v39, v39  }
0xf2: {  	v50 =	vor.u32 v11, v53;
	v61 =	vadd.f32 v62, v61;
	v48 =	vmul.f32 v51, v48  }
0xf3: {  	v62 =	vor.u32 v6, v53;
	v63 =	vperm.xlane v49, v4;
	v59 =	vadd.f32 v60, v59;
	v57 =	vld.idx.msk [tilespmem:v57+s8+$0x0], $0xffff  }
0xf4: {  	v60 =	vor.u32 v7, v53;
	v54 =	vadd.f32 v54, v58;
	v48 =	vmul.f32 v48, v51  }
0xf5: {  	v58 =	vor.u32 v8, v53;
	v49 =	vadd.f32 v49, v63;
	v59 =	vadd.f32 v59, v61  }
0xf6: {  	[tilespmem:v55+s9+$0x0] =	vst.idx.add.f32.msk $0xffff, v52;
	v52 =	vor.u32 v10, v53;
	v55 =	vor.u32 v13, v53;
	v48 =	vsub.f32 $1.500000000e+00, v48  }
0xf7: {  	v61 =	vor.u32 v9, v53;
	v53 =	vor.u32 v15, v53;
	v54 =	vadd.f32 v59, v54  }
0xf8: {  	[tilespmem:v62+s9+$0x0] =	vst.idx.add.f32.msk $0xffff, v56;
	v48 =	vmul.f32 v48, v51;
	v62 =	vshll.u32 v57, $0x8;
	v63 =	vshll.u32 v57, $0x7  }
0xf9: {  	[tilespmem:v60+s9+$0x0] =	vst.idx.add.f32.msk $0xffff, v33;
	v60 =	vand.u32 $0xFFFFF800, v62;
	v62 =	vand.u32 $0x380, v63;
	v63 =	vperm.xlane v54, v1  }
0xfa: {  	s30 =	sadd.s32 $0x6, s12;
	v56 =	vadd.f32 v14, v46;
	v23 =	vmul.f32 v48, v23;
	v24 =	vmul.f32 v48, v24  }
0xfb: {  	v59 =	vmov s30;
	[tilespmem:v58+s9+$0x0] =	vst.idx.add.f32.msk $0xffff, v34;
	v26 =	vmul.f32 v48, v26;
	v27 =	vmul.f32 v48, v27  }
0xfc: {  	v34 =	vand.u32 $0xFFFFFFFE, v59;
	v30 =	vmul.f32 v48, v30;
	[tilespmem:v61+s9+$0x0] =	vst.idx.add.f32.msk $0xffff, v36;
	v36 =	vadd.f32 v54, v63  }
0xfd: {  	v33 =	vor.u32 v62, v60;
	v60 =	vmax.f32 v49, $1.000000020e-24;
	v34 =	vbroadcast v34, $0x0  }
0xfe: {  	v61 =	vshrl.u32 v60, $0x1;
	v51 =	vmul.f32 $5.000000000e-01, v60;
	v58 =	vperm.xlane v36, v2  }
0xff: {  	v47 =	vmul.f32 v48, v47;
	v21 =	vmul.f32 v48, v21;
	[tilespmem:v52+s9+$0x0] =	vst.idx.add.f32.msk $0xffff, v37;
	v63 =	vsub.s32 $0x5F3759DF, v61  }
0x100: {  	v62 =	vor.u32 v5, v33;
	v57 =	vmul.f32 v63, v51;
	v36 =	vadd.f32 v36, v58  }
0x101: {  	v25 =	vmul.f32 v48, v25;
	v19 =	vmul.f32 v48, v19;
	[tilespmem:v50+s9+$0x0] =	vst.idx.add.f32.msk $0xffff, v35  }
0x102: {  	[tilespmem:v55+s9+$0x0] =	vst.idx.add.f32.msk $0xffff, v38;
	v59 =	vmul.f32 v63, v57;
	v38 =	vperm.xlane v36, v3  }
0x103: {  	v60 =	vor.u32 v6, v33;
	v47 =	vmul.f32 v47, v48;
	v52 =	vor.u32 v11, v33  }
0x104: {  	v61 =	vor.u32 v7, v33;
	v34 =	vld.idx.msk [tilespmem:v34+s8+$0x0], $0xffff;
	v35 =	vsub.f32 $1.500000000e+00, v59;
	v36 =	vadd.f32 v36, v38  }
0x105: {  	v47 =	vmul.f32 v12, v47;
	[tilespmem:v62+s9+$0x0] =	vst.idx.add.f32.msk $0xffff, v23;
	v62 =	vor.u32 v8, v33  }
0x106: {  	v50 =	vor.u32 v9, v33;
	v35 =	vmul.f32 v63, v35;
	v63 =	vperm.xlane v36, v4  }
0x107: {  	[tilespmem:v53+s9+$0x0] =	vst.idx.add.f32.msk $0xffff, v56;
	v56 =	vor.u32 v13, v33;
	v58 =	vor.u32 v15, v33  }
0x108: {  	v48 =	vadd.f32 v14, v47;
	[tilespmem:v60+s9+$0x0] =	vst.idx.add.f32.msk $0xffff, v24;
	v24 =	vadd.f32 v36, v63  }
0x109: {  	[tilespmem:v61+s9+$0x0] =	vst.idx.add.f32.msk $0xffff, v26;
	v38 =	vor.u32 v10, v33;
	v51 =	vmul.f32 v35, v51;
	v57 =	vshll.u32 v34, $0x8  }
0x10a: {  	v34 =	vshll.u32 v34, $0x7;
	[tilespmem:v62+s9+$0x0] =	vst.idx.add.f32.msk $0xffff, v27;
	v59 =	vand.u32 $0xFFFFF800, v57;
	v62 =	vmax.f32 v24, $1.000000020e-24  }
0x10b: {  	s31 =	sadd.s32 $0x7, s12;
	v51 =	vmul.f32 v51, v35;
	v37 =	vshrl.u32 v62, $0x1;
	v33 =	vmul.f32 $5.000000000e-01, v62  }
0x10c: {  	v60 =	vand.u32 $0x380, v34;
	[tilespmem:v50+s9+$0x0] =	vst.idx.add.f32.msk $0xffff, v30;
	v50 =	vmov s31;
	v34 =	vsub.s32 $0x5F3759DF, v37  }
0x10d: {  	v26 =	vor.u32 v60, v59;
	v61 =	vsub.f32 $1.500000000e+00, v51;
	v51 =	vmul.f32 v34, v33  }
0x10e: {  	v63 =	vor.u32 v5, v26;
	[tilespmem:v38+s9+$0x0] =	vst.idx.add.f32.msk $0xffff, v21;
	v46 =	vor.u32 v6, v26  }
0x10f: {  	[tilespmem:v52+s9+$0x0] =	vst.idx.add.f32.msk $0xffff, v25;
	v21 =	vmul.f32 v61, v35;
	v54 =	vmul.f32 v34, v51  }
0x110: {  	v55 =	vor.u32 v7, v26;
	v57 =	vor.u32 v8, v26;
	[tilespmem:v56+s9+$0x0] =	vst.idx.add.f32.msk $0xffff, v19  }
0x111: {  	v59 =	vor.u32 v9, v26;
	[tilespmem:v58+s9+$0x0] =	vst.idx.add.f32.msk $0xffff, v48;
	v52 =	vmul.f32 v21, v28;
	v56 =	vsub.f32 $1.500000000e+00, v54  }
0x112: {  	v36 =	vor.u32 v11, v26;
	v58 =	vld.idx.msk [tilespmem:v50+s8+$0x0], $0xffff;
	v53 =	vmul.f32 v21, v29;
	v20 =	vmul.f32 v21, v20  }
0x113: {  	v61 =	vor.u32 v10, v26;
	v22 =	vmul.f32 v21, v22;
	v23 =	vmul.f32 v34, v56  }
0x114: {  	v37 =	vor.u32 v13, v26;
	v60 =	vmul.f32 v21, v31;
	v62 =	vmul.f32 v21, v32  }
0x115: {  	v38 =	vmul.f32 v21, v49;
	[tilespmem:v63+s9+$0x0] =	vst.idx.add.f32.msk $0xffff, v52;
	v63 =	vmul.f32 v23, v33  }
0x116: {  	v49 =	vor.u32 v15, v26;
	v17 =	vmul.f32 v21, v17;
	[tilespmem:v46+s9+$0x0] =	vst.idx.add.f32.msk $0xffff, v53  }
0x117: {  	v46 =	vshll.u32 v58, $0x8;
	v47 =	vshll.u32 v58, $0x7;
	[tilespmem:v55+s9+$0x0] =	vst.idx.add.f32.msk $0xffff, v20;
	v20 =	vmul.f32 v63, v23  }
0x118: {  	v48 =	vmul.f32 v38, v21;
	v25 =	vand.u32 $0x380, v47;
	[tilespmem:v57+s9+$0x0] =	vst.idx.add.f32.msk $0xffff, v22;
	v22 =	vand.u32 $0xFFFFF800, v46  }
0x119: {  	v18 =	vmul.f32 v21, v18;
	v22 =	vor.u32 v25, v22;
	v20 =	vsub.f32 $1.500000000e+00, v20  }
0x11a: {  	v50 =	vmul.f32 v12, v48;
	[tilespmem:v59+s9+$0x0] =	vst.idx.add.f32.msk $0xffff, v60;
	v51 =	vor.u32 v5, v22  }
0x11b: {  	[tilespmem:v61+s9+$0x0] =	vst.idx.add.f32.msk $0xffff, v62;
	v52 =	vor.u32 v6, v22;
	v20 =	vmul.f32 v20, v23  }
0x11c: {  	[tilespmem:v36+s9+$0x0] =	vst.idx.add.f32.msk $0xffff, v17;
	v17 =	vadd.f32 v14, v50  }
0x11d: {  	v53 =	vor.u32 v7, v22;
	[tilespmem:v37+s9+$0x0] =	vst.idx.add.f32.msk $0xffff, v18;
	v54 =	vmul.f32 v20, v40  }
0x11e: {  	v55 =	vor.u32 v8, v22;
	[tilespmem:v49+s9+$0x0] =	vst.idx.add.f32.msk $0xffff, v17;
	v17 =	vmul.f32 v20, v43  }
0x11f: {  	v57 =	vor.u32 v9, v22;
	v56 =	vmul.f32 v20, v44;
	[tilespmem:v51+s9+$0x0] =	vst.idx.add.f32.msk $0xffff, v54  }
0x120: {  	v58 =	vmul.f32 v20, v24;
	[tilespmem:v52+s9+$0x0] =	vst.idx.add.f32.msk $0xffff, v17;
	v17 =	vor.u32 v10, v22  }
0x121: {  	v59 =	vor.u32 v11, v22;
	v61 =	vor.u32 v13, v22;
	v16 =	vmul.f32 v20, v16  }
0x122: {  	v60 =	vmul.f32 v20, v41;
	v21 =	vmul.f32 v58, v20;
	[tilespmem:v53+s9+$0x0] =	vst.idx.add.f32.msk $0xffff, v56  }
0x123: {  	p0 =	slt.u32 s12, $0xF8;
	v62 =	vor.u32 v15, v22;
	[tilespmem:v55+s9+$0x0] =	vst.idx.add.f32.msk $0xffff, v16;
	v16 =	vmul.f32 v20, v42  }
.Ltmp0:
0x124: {  	v63 =	vmul.f32 v20, v45;
	v21 =	vmul.f32 v12, v21;
	[tilespmem:v57+s9+$0x0] =	vst.idx.add.f32.msk $0xffff, v60;
	(pc) =	sbr.rel @p0 .LBB2_2-.Ltmp0, $4  }
0x125: {  	[tilespmem:v17+s9+$0x0] =	vst.idx.add.f32.msk $0xffff, v16;
	v16 =	vmul.f32 v20, v39  }
0x126: {  	v17 =	vadd.f32 v14, v21;
	[tilespmem:v59+s9+$0x0] =	vst.idx.add.f32.msk $0xffff, v63  }
0x127: {  	[tilespmem:v61+s9+$0x0] =	vst.idx.add.f32.msk $0xffff, v16  }
0x128: {  	s12 =	sadd.s32 $0x8, s12;
	s11 =	sadd.s32 $0x400, s11;
	[tilespmem:v62+s9+$0x0] =	vst.idx.add.f32.msk $0xffff, v17  }
0x129: {  	s10 =	sadd.s32 $0x1, s10  }
0x12a: {  	p0 =	sne.s32 s10, s6  }
.Ltmp1:
0x12b: {  	_ = 	snop;
	(pc) =	sbr.rel @p0 .LBB2_1-.Ltmp1, $4  }
0x12c: {  	[hbm4b:s5+s2] =	stream.linear.scatter [tilespmem:s9], [sflag:$0x1], $0x800, $0x38;
	[tilespmem:$0x8900] =	vst v63  }
0x12d: {  	_ =	swait.ge [sflag:s7], $0x800  }
0x12e: {  	[sflag:s7] =	ssyncset.done $0x0  }
0x12f: {  	[sflag:s7] =	ssyncadd.s32 $0xFFFFF800  }
0x130: {  	_ =	sfence.sel $0x180000  }
0x131: {  	[bflag:$0x0] =	sbarrier.arrive $0xFFFF  }
0x132: {  	p0 =	sne.s32 s0, $0x0;
	_ =	strace $0x90000047  }
0x133: {  	s0 =	sadd.s32 @!p0 $0x100000, s1;
	[bflag:$0x2] =	sbarrier.arrive $0xFFFF  }
0x134: {  	[sflag:s0] =	ssyncadd.tile.s32 @!p0 $0x1;
	_ =	shalt  }
.Lfunc_end2:
_tile_overlayer_lowered:
.L_overlay_start_2:
0x135: {  	(tag) =	ssettag $0x2  }
0x136: {  	s0 =	rddreg [dreg:$0x0];
	s2 =	stileid.u32  }
0x137: {  	s1 =	rddreg [dreg:$0x1];
	p0 =	sne.s32 s2, $0x0  }
0x138: {  	s3 =	rddreg [dreg:$0x2];
	[bflag:$0x3] =	sbarrier.arrive $0xFFFF;
	s2 =	simm.s32 @!p0 $0x1C01  }
0x139: {  	[timem:s3], [sflag:s2] =	dma.local @!p0 [hbm:s0], s1  }
0x13a: {  	s0 =	simm.s32 @!p0 $0x1  }
0x13b: {  	_ =	swait.ge @!p0 [sflag:s0], s1  }
0x13c: {  	s1 =	ssub.s32 @!p0 $0x0, s1;
	[sflag:s0] =	ssyncset.done @!p0 $0x0  }
0x13d: {  	[sflag:s0] =	ssyncadd.s32 @!p0 s1  }
0x13e: {  	[bflag:$0x3] =	sbarrier.arrive $0xFFFF  }
0x13f: {  	_ =	shalt  }

</sc_bundles>
